<compile_context>
chip_gen: v7x
topology: tpu7x:2x2x1
jax: 0.10.2.dev20260603
libtpu: 0.0.44.dev20260713+nightly
codegen_flags: <defaults>
</compile_context>

<pallas_src>
import functools

import jax
import jax.numpy as jnp
from jax import lax
from jax.experimental import pallas as pl
from jax.experimental.pallas import tpu as pltpu
from jax.experimental.pallas import tpu_sc as plsc

N = 320000
D = 128
K = 1024
NC = 2
NS = 16
NW = NC * NS
L = 16
NSC_ROWS = 281600
RPW = NSC_ROWS // NW
CH = 400
NCH = RPW // CH
SUB = 80
NSUB = CH // SUB
KSL = K // NS

_MESH = plsc.VectorSubcoreMesh(
    core_axis_name="c", subcore_axis_name="s", num_cores=NC, num_subcores=NS)


def _stage_labels(labf_v, lab_v):
    for j in range(NSUB):
        for t in range(SUB // L):
            lab_v[j, pl.ds(t * L, L)] = labf_v[pl.ds(j * SUB + t * L, L)]


def _sc_pass1(x_hbm, lab_hbm, zeros_hbm, psums_hbm,
              x_v, labf_v, lab_v, table_sh):
    c = lax.axis_index("c")
    s = lax.axis_index("s")
    wid = s * NC + c
    base = wid * RPW

    pltpu.sync_copy(zeros_hbm.at[pl.ds(s * KSL, KSL), :],
                    table_sh.at[pl.ds(s * KSL, KSL), :])
    plsc.subcore_barrier()

    def chunk_body(ch, carry):
        row0 = base + ch * CH
        pltpu.sync_copy(x_hbm.at[pl.ds(row0, CH), :], x_v)
        pltpu.sync_copy(lab_hbm.at[pl.ds(row0, CH)], labf_v)
        _stage_labels(labf_v, lab_v)
        for j in range(NSUB):
            pltpu.sync_copy(x_v.at[pl.ds(j * SUB, SUB), :],
                            table_sh.at[lab_v.at[j]], add=True)
        return carry

    lax.fori_loop(0, NCH, chunk_body, 0)
    plsc.subcore_barrier()

    pltpu.sync_copy(table_sh.at[pl.ds(s * KSL, KSL), :],
                    psums_hbm.at[c, pl.ds(s * KSL, KSL), :])


def _tc_combine(psums_ref, tcsums_ref, cnt_ref, cent_ref, bss_ref):
    sums = psums_ref[0] + psums_ref[1] + tcsums_ref[...]
    counts = cnt_ref[:, 0]
    cent = sums / jnp.maximum(counts, 1.0)[:, None]
    gmean = jnp.sum(sums, axis=0, keepdims=True) / jnp.float32(N)
    bd = cent - gmean
    bdist = jnp.sqrt(jnp.sum(bd * bd, axis=1))
    bss_ref[0, 0] = jnp.sum(counts * bdist) / jnp.float32(K - 1)
    cent_ref[...] = cent


R = 3200
NB = N // R
W = 128
B0 = NSC_ROWS // R
NTB = NB - B0


def _tc_psum(x_ref, lab_ref, labs_ref, out_ref):
    i = pl.program_id(0)

    @pl.when(i == 0)
    def _init():
        out_ref[...] = jnp.zeros((K, D), jnp.float32)

    lab = lab_ref[0, 0, :]
    lab0 = labs_ref[0, 0, 0]
    labE = labs_ref[0, 0, R - 1]
    base = jnp.minimum(lab0 & ~7, K - W)
    fast = (labE - base) < W

    @pl.when(fast)
    def _fast():
        onehot = (
            (lab[:, None] - base)
            == jax.lax.broadcasted_iota(jnp.int32, (R, W), 1)
        ).astype(jnp.float32)
        ps = jax.lax.dot_general(
            onehot, x_ref[0], (((0,), (0,)), ((), ())),
            preferred_element_type=jnp.float32)
        out_ref[pl.ds(base, W), :] = out_ref[pl.ds(base, W), :] + ps

    @pl.when(jnp.logical_not(fast))
    def _slow():
        onehot = (
            lab[:, None]
            == jax.lax.broadcasted_iota(jnp.int32, (R, K), 1)
        ).astype(jnp.float32)
        ps = jax.lax.dot_general(
            onehot, x_ref[0], (((0,), (0,)), ((), ())),
            preferred_element_type=jnp.float32)
        out_ref[...] = out_ref[...] + ps


def _tc_hist(lab_ref, labs_ref, cnt_ref):
    i = pl.program_id(0)

    @pl.when(i == 0)
    def _init():
        cnt_ref[...] = jnp.zeros((K, 8), jnp.float32)

    lab = lab_ref[0, 0, :]
    lab0 = labs_ref[0, 0, 0]
    labE = labs_ref[0, 0, R - 1]
    base = jnp.minimum(lab0 & ~7, K - W)
    fast = (labE - base) < W

    @pl.when(fast)
    def _fast():
        onehot = (
            (lab[:, None] - base)
            == jax.lax.broadcasted_iota(jnp.int32, (R, W), 1)
        ).astype(jnp.float32)
        colsum = jnp.sum(onehot, axis=0)
        cnt_ref[pl.ds(base, W), :] = (
            cnt_ref[pl.ds(base, W), :] + colsum[:, None])

    @pl.when(jnp.logical_not(fast))
    def _slow():
        onehot = (
            lab[:, None]
            == jax.lax.broadcasted_iota(jnp.int32, (R, K), 1)
        ).astype(jnp.float32)
        colsum = jnp.sum(onehot, axis=0)
        cnt_ref[...] = cnt_ref[...] + colsum[:, None]


def _tc_pass2(x_ref, lab_ref, labs_ref, cent_ref, bss_ref, loss_ref,
              list_ref, wacc_ref):
    i = pl.program_id(0)
    nb = pl.num_programs(0)

    @pl.when(i == 0)
    def _init():
        wacc_ref[0, 0] = 0.0

    lab = lab_ref[0, 0, :]
    lab0 = labs_ref[0, 0, 0]
    labE = labs_ref[0, 0, R - 1]
    base = jnp.minimum(lab0 & ~7, K - W)
    fast = (labE - base) < W

    def _accum(cent_g):
        dd = x_ref[...] - cent_g
        w2 = jax.lax.dot_general(
            dd * dd, jnp.ones((D, 8), jnp.float32), (((1,), (0,)), ((), ())),
            preferred_element_type=jnp.float32)
        wacc_ref[0, 0] += jnp.sum(jnp.sqrt(w2[:, :1]))

    @pl.when(fast)
    def _fast():
        onehot = (
            (lab[:, None] - base)
            == jax.lax.broadcasted_iota(jnp.int32, (R, W), 1)
        ).astype(jnp.float32)
        _accum(jax.lax.dot_general(
            onehot, cent_ref[pl.ds(base, W), :], (((1,), (0,)), ((), ())),
            preferred_element_type=jnp.float32))

    @pl.when(jnp.logical_not(fast))
    def _slow():
        onehot = (
            lab[:, None]
            == jax.lax.broadcasted_iota(jnp.int32, (R, K), 1)
        ).astype(jnp.float32)
        _accum(jax.lax.dot_general(
            onehot, cent_ref[...], (((1,), (0,)), ((), ())),
            preferred_element_type=jnp.float32))

    @pl.when(i == nb - 1)
    def _emit():
        val = wacc_ref[0, 0] / jnp.float32(N - K) - bss_ref[0, 0]
        loss_ref[0, 0] = val
        list_ref[0, 0] = val


_pass1 = functools.partial(
    pl.kernel,
    out_type=jax.ShapeDtypeStruct((NC, K, D), jnp.float32),
    mesh=_MESH,
    scratch_types=[
        pltpu.VMEM((CH, D), jnp.float32),
        pltpu.VMEM((CH,), jnp.int32),
        pltpu.VMEM((NSUB, SUB), jnp.int32),
        pltpu.VMEM_SHARED((K, D), jnp.float32),
    ],
)(_sc_pass1)

@jax.jit
def kernel(Attributes, cluster_labels):
    x = Attributes.reshape(N, D)
    labs = cluster_labels.reshape(N)
    zeros = jnp.zeros((K, D), jnp.float32)
    labs3 = labs.reshape(NB, 1, R)

    psums = _pass1(x, labs, zeros)

    x3 = x.reshape(NB, R, D)
    tcsums = pl.pallas_call(
        _tc_psum,
        grid=(NTB,),
        in_specs=[
            pl.BlockSpec((1, R, D), lambda i: (B0 + i, 0, 0)),
            pl.BlockSpec((1, 1, R), lambda i: (B0 + i, 0, 0)),
            pl.BlockSpec((1, 1, R), lambda i: (B0 + i, 0, 0),
                         memory_space=pltpu.SMEM),
        ],
        out_specs=pl.BlockSpec((K, D), lambda i: (0, 0)),
        out_shape=jax.ShapeDtypeStruct((K, D), jnp.float32),
        compiler_params=pltpu.CompilerParams(
            dimension_semantics=("arbitrary",)),
    )(x3, labs3, labs3)

    cnt = pl.pallas_call(
        _tc_hist,
        grid=(NB,),
        in_specs=[
            pl.BlockSpec((1, 1, R), lambda i: (i, 0, 0)),
            pl.BlockSpec((1, 1, R), lambda i: (i, 0, 0),
                         memory_space=pltpu.SMEM),
        ],
        out_specs=pl.BlockSpec((K, 8), lambda i: (0, 0)),
        out_shape=jax.ShapeDtypeStruct((K, 8), jnp.float32),
        compiler_params=pltpu.CompilerParams(
            dimension_semantics=("arbitrary",)),
    )(labs3, labs3)

    cent, bss = pl.pallas_call(
        _tc_combine,
        out_shape=[
            jax.ShapeDtypeStruct((K, D), jnp.float32),
            jax.ShapeDtypeStruct((1, 1), jnp.float32),
        ],
        out_specs=[
            pl.BlockSpec((K, D), lambda: (0, 0)),
            pl.BlockSpec(memory_space=pltpu.SMEM),
        ],
    )(psums, tcsums, cnt)

    loss, loss_list = pl.pallas_call(
        _tc_pass2,
        grid=(NB,),
        in_specs=[
            pl.BlockSpec((R, D), lambda i: (i, 0)),
            pl.BlockSpec((1, 1, R), lambda i: (i, 0, 0)),
            pl.BlockSpec((1, 1, R), lambda i: (i, 0, 0),
                         memory_space=pltpu.SMEM),
            pl.BlockSpec((K, D), lambda i: (0, 0)),
            pl.BlockSpec(memory_space=pltpu.SMEM),
        ],
        out_specs=[
            pl.BlockSpec(memory_space=pltpu.SMEM),
            pl.BlockSpec(memory_space=pltpu.SMEM),
        ],
        out_shape=[
            jax.ShapeDtypeStruct((1, 1), jnp.float32),
            jax.ShapeDtypeStruct((1, 1), jnp.float32),
        ],
        scratch_shapes=[
            pltpu.SMEM((1, 1), jnp.float32),
        ],
        compiler_params=pltpu.CompilerParams(
            dimension_semantics=("arbitrary",)),
    )(x, labs3, labs3, cent, bss)
    return loss.reshape(1), loss_list.reshape(1)

# --- scband reference (transcript-rebuilt; emitter-appended) ---
"""Pipeline reference for scband-cluster-loss-88278757802350 (READ-ONLY COPY).

The authoritative reference and input builder live on the scoring server;
editing this copy changes nothing except your own understanding.
"""

import jax, jax.numpy as jnp
import numpy as np

K = 1024  # number of clusters (torch.unique(labels).shape[0]; labels drawn from [0, 1024))
P = 2     # norm_degree


def _wcss_bcss(X, labels, num_clusters, p):
    # WCSS: within-cluster sum of p-norm distances to cluster centroids
    N = X.shape[0]
    sums = jax.ops.segment_sum(X, labels, num_segments=num_clusters)
    counts = jax.ops.segment_sum(jnp.ones((N,), dtype=X.dtype), labels, num_segments=num_clusters)
    centroids = sums / jnp.maximum(counts, 1.0)[:, None]
    diffs = X - jnp.take(centroids, labels, axis=0)
    within_d = jnp.power(jnp.sum(jnp.power(jnp.abs(diffs), p), axis=-1), 1.0 / p)
    within_ss = jnp.sum(within_d)
    # BCSS: size-weighted p-norm distances of centroids to the global mean
    global_mean = jnp.mean(X, axis=0)
    bdiffs = centroids - global_mean[None, :]
    between_d = jnp.power(jnp.sum(jnp.power(jnp.abs(bdiffs), p), axis=-1), 1.0 / p)
    between_ss = jnp.sum(counts * between_d)
    # 'anova' weighting: F-statistic style normalization
    within_ss = within_ss / jnp.asarray(N - num_clusters, dtype=X.dtype)
    between_ss = between_ss / jnp.asarray(num_clusters - 1, dtype=X.dtype)
    return within_ss, between_ss, centroids


def setup_inputs(seed: int = 0) -> dict:
    key = jax.random.key(seed)
    k1, k2 = jax.random.split(key)
    Attributes = jax.random.normal(k1, (1, 320000, 128), dtype=jnp.float32)
    cluster_labels = jnp.sort(jax.random.randint(k2, (1, 320000), 0, K, dtype=jnp.int32), axis=-1)
    return {"Attributes": Attributes, "cluster_labels": cluster_labels}


def reference(Attributes, cluster_labels):
    B = Attributes.shape[0]
    d = Attributes.shape[-1]
    loss = jnp.zeros((1,), dtype=jnp.float32)
    loss_list = []
    for i in range(B):
        # torch code passes the FULL Attributes tensor as X; with B=1 this is [N, d]
        X = Attributes.reshape(-1, d)
        labels = cluster_labels[i]
        within_ss, between_ss, _ = _wcss_bcss(X, labels, K, P)
        loss_list.append(within_ss - between_ss)
        loss = loss + (within_ss - between_ss)
    return loss, jnp.stack(loss_list)


if False:  # reference __main__ guard neutralized (emitter)
    out = reference(**setup_inputs())
    print(out[0].shape, out[1].shape)

if __name__ == "__main__":
    import jax
    _d = setup_inputs()
    print(jax.jit(kernel)(*tuple(_d.values())))

</pallas_src>

<mosaic_0001>
#map = affine_map<(d0, d1) -> (0, 0)>
#map1 = affine_map<(d0, d1) -> (0)>
#map2 = affine_map<(d0, d1) -> (0, 0, 0)>
module attributes {stable_mosaic.version = 14 : i64} {
  func.func @_sc_pass1(%arg0: i32, %arg1: i32, %arg2: memref<320000x128xf32, #tpu.memory_space<hbm>>, %arg3: memref<320000xi32, #tpu.memory_space<hbm>>, %arg4: memref<1024x128xf32, #tpu.memory_space<hbm>>, %arg5: memref<2x1024x128xf32, #tpu.memory_space<hbm>>, %arg6: memref<400x128xf32, #tpu.memory_space<vmem>>, %arg7: memref<400xi32, #tpu.memory_space<vmem>>, %arg8: memref<5x80xi32, #tpu.memory_space<vmem>>, %arg9: memref<1024x128xf32, #tpu.memory_space<vmem_shared>>) attributes {dimension_semantics = [#tpu.dimension_semantics<core_parallel>, #tpu.dimension_semantics<subcore_parallel>], iteration_bounds = array<i64: 2, 16>, scalar_prefetch = 0 : i64, scratch_operands = 4 : i64, tpu.core_type = #tpu.core_type<sc_vector_subcore>, window_params = [{transform_indices = #map}, {transform_indices = #map1}, {transform_indices = #map}, {transform_indices = #map2}]} {
    %mul3A = arith.constant 2 : i32
    %mul3A_0 = arith.muli %arg1, %mul3A : i32
    %add3A = arith.addi %mul3A_0, %arg0 : i32
    %mul3A_1 = arith.constant 8800 : i32
    %mul3A_2 = arith.muli %add3A, %mul3A_1 : i32
    %mul3A_3 = arith.constant 64 : i32
    %mul3A_4 = arith.muli %arg1, %mul3A_3 : i32
    %mul3A_5 = arith.constant 64 : i32
    %mul3A_6 = arith.muli %arg1, %mul3A_5 : i32
    "tpu.region"() ({
      %run_scoped3A = tpu.sem_alloc : memref<!tpu.dma_semaphore, #tpu.memory_space<semaphore_mem>>
      %dma_start3A = arith.constant 0 : i32
      %dma_start3A_17 = tpu.memref_slice %arg9[%mul3A_6, %dma_start3A] : memref<1024x128xf32, #tpu.memory_space<vmem_shared>> -> memref<64x128xf32, #tpu.memory_space<vmem_shared>>
      %dma_start3A_18 = arith.constant 0 : i32
      %dma_start3A_19 = tpu.memref_slice %arg4[%mul3A_4, %dma_start3A_18] : memref<1024x128xf32, #tpu.memory_space<hbm>> -> memref<64x128xf32, #tpu.memory_space<hbm>>
      tpu.enqueue_dma source(%dma_start3A_19 : memref<64x128xf32, #tpu.memory_space<hbm>>) target(%dma_start3A_17 : memref<64x128xf32, #tpu.memory_space<vmem_shared>>) target_semaphore(%run_scoped3A : memref<!tpu.dma_semaphore, #tpu.memory_space<semaphore_mem>>)
      %dma_wait3A = arith.constant 0 : i32
      %dma_wait3A_20 = tpu.memref_slice %arg9[%mul3A_6, %dma_wait3A] : memref<1024x128xf32, #tpu.memory_space<vmem_shared>> -> memref<64x128xf32, #tpu.memory_space<vmem_shared>>
      %dma_wait3A_21 = arith.constant 0 : i32
      %dma_wait3A_22 = tpu.memref_slice %arg4[%mul3A_4, %dma_wait3A_21] : memref<1024x128xf32, #tpu.memory_space<hbm>> -> memref<64x128xf32, #tpu.memory_space<hbm>>
      tpu.wait_dma2 semaphore(%run_scoped3A : memref<!tpu.dma_semaphore, #tpu.memory_space<semaphore_mem>>) src(%dma_wait3A_22 : memref<64x128xf32, #tpu.memory_space<hbm>>) dst(%dma_wait3A_20 : memref<64x128xf32, #tpu.memory_space<vmem_shared>>)
      tpu.yield
    }) : () -> ()
    %barrier3A = arith.constant 0 : index
    tpu.barrier barrier_id(%barrier3A)
    %scan3A = arith.constant 0 : i32
    %scan3A_7 = arith.constant 0 : i32
    %scan3A_8 = arith.constant 22 : i32
    %scan3A_9 = arith.addi %scan3A_7, %scan3A_8 : i32
    %scan3A_10 = arith.constant 1 : i32
    scf.for %scan3A_17 = %scan3A_7 to %scan3A_9 step %scan3A_10  : i32 {
      %mul3A_18 = arith.constant 400 : i32
      %mul3A_19 = arith.muli %scan3A_17, %mul3A_18 : i32
      %add3A_20 = arith.addi %mul3A_2, %mul3A_19 : i32
      "tpu.region"() ({
        %run_scoped3A_248 = tpu.sem_alloc : memref<!tpu.dma_semaphore, #tpu.memory_space<semaphore_mem>>
        %dma_start3A = arith.constant 0 : i32
        %dma_start3A_249 = tpu.memref_slice %arg2[%add3A_20, %dma_start3A] : memref<320000x128xf32, #tpu.memory_space<hbm>> -> memref<400x128xf32, #tpu.memory_space<hbm>>
        %dma_start3A_250 = arith.constant 0 : i32
        %dma_start3A_251 = tpu.memref_slice %arg2[%add3A_20, %dma_start3A_250] : memref<320000x128xf32, #tpu.memory_space<hbm>> -> memref<400x128xf32, #tpu.memory_space<hbm>>
        tpu.enqueue_dma source(%dma_start3A_251 : memref<400x128xf32, #tpu.memory_space<hbm>>) target(%arg6 : memref<400x128xf32, #tpu.memory_space<vmem>>) target_semaphore(%run_scoped3A_248 : memref<!tpu.dma_semaphore, #tpu.memory_space<semaphore_mem>>)
        %dma_wait3A = arith.constant 0 : i32
        %dma_wait3A_252 = tpu.memref_slice %arg2[%add3A_20, %dma_wait3A] : memref<320000x128xf32, #tpu.memory_space<hbm>> -> memref<400x128xf32, #tpu.memory_space<hbm>>
        %dma_wait3A_253 = arith.constant 0 : i32
        %dma_wait3A_254 = tpu.memref_slice %arg2[%add3A_20, %dma_wait3A_253] : memref<320000x128xf32, #tpu.memory_space<hbm>> -> memref<400x128xf32, #tpu.memory_space<hbm>>
        tpu.wait_dma2 semaphore(%run_scoped3A_248 : memref<!tpu.dma_semaphore, #tpu.memory_space<semaphore_mem>>) src(%dma_wait3A_254 : memref<400x128xf32, #tpu.memory_space<hbm>>) dst(%arg6 : memref<400x128xf32, #tpu.memory_space<vmem>>)
        tpu.yield
      }) : () -> ()
      "tpu.region"() ({
        %run_scoped3A_248 = tpu.sem_alloc : memref<!tpu.dma_semaphore, #tpu.memory_space<semaphore_mem>>
        %dma_start3A = tpu.memref_slice %arg3[%add3A_20] : memref<320000xi32, #tpu.memory_space<hbm>> -> memref<400xi32, #tpu.memory_space<hbm>>
        %dma_start3A_249 = tpu.memref_slice %arg3[%add3A_20] : memref<320000xi32, #tpu.memory_space<hbm>> -> memref<400xi32, #tpu.memory_space<hbm>>
        tpu.enqueue_dma source(%dma_start3A_249 : memref<400xi32, #tpu.memory_space<hbm>>) target(%arg7 : memref<400xi32, #tpu.memory_space<vmem>>) target_semaphore(%run_scoped3A_248 : memref<!tpu.dma_semaphore, #tpu.memory_space<semaphore_mem>>)
        %dma_wait3A = tpu.memref_slice %arg3[%add3A_20] : memref<320000xi32, #tpu.memory_space<hbm>> -> memref<400xi32, #tpu.memory_space<hbm>>
        %dma_wait3A_250 = tpu.memref_slice %arg3[%add3A_20] : memref<320000xi32, #tpu.memory_space<hbm>> -> memref<400xi32, #tpu.memory_space<hbm>>
        tpu.wait_dma2 semaphore(%run_scoped3A_248 : memref<!tpu.dma_semaphore, #tpu.memory_space<semaphore_mem>>) src(%dma_wait3A_250 : memref<400xi32, #tpu.memory_space<hbm>>) dst(%arg7 : memref<400xi32, #tpu.memory_space<vmem>>)
        tpu.yield
      }) : () -> ()
      %get3A = arith.constant 0 : index
      %get3A_21 = tpu.vector_load %arg7[%get3A] {strides = array<i32>} : memref<400xi32, #tpu.memory_space<vmem>>, vector<16xi32>,
      %get3A_22 = vector.shape_cast %get3A_21 : vector<16xi32> to vector<16xi32>
      %swap3A = arith.constant 0 : i32
      %swap3A_23 = arith.index_cast %swap3A : i32 to index
      %swap3A_24 = arith.constant 0 : index
      %swap3A_25 = tpu.vector_load %arg8[%swap3A_23, %swap3A_24] {strides = array<i32>} : memref<5x80xi32, #tpu.memory_space<vmem>>, vector<1x16xi32>,
      %swap3A_26 = vector.shape_cast %swap3A_25 : vector<1x16xi32> to vector<16xi32>
      %swap3A_27 = vector.shape_cast %get3A_22 : vector<16xi32> to vector<1x16xi32>
      tpu.vector_store %arg8[%swap3A_23, %swap3A_24], %swap3A_27 {strides = array<i32>} : memref<5x80xi32, #tpu.memory_space<vmem>>, vector<1x16xi32>,
      %get3A_28 = arith.constant 16 : index
      %get3A_29 = tpu.vector_load %arg7[%get3A_28] {strides = array<i32>} : memref<400xi32, #tpu.memory_space<vmem>>, vector<16xi32>,
      %get3A_30 = vector.shape_cast %get3A_29 : vector<16xi32> to vector<16xi32>
      %swap3A_31 = arith.constant 0 : i32
      %swap3A_32 = arith.index_cast %swap3A_31 : i32 to index
      %swap3A_33 = arith.constant 16 : index
      %swap3A_34 = tpu.vector_load %arg8[%swap3A_32, %swap3A_33] {strides = array<i32>} : memref<5x80xi32, #tpu.memory_space<vmem>>, vector<1x16xi32>,
      %swap3A_35 = vector.shape_cast %swap3A_34 : vector<1x16xi32> to vector<16xi32>
      %swap3A_36 = vector.shape_cast %get3A_30 : vector<16xi32> to vector<1x16xi32>
      tpu.vector_store %arg8[%swap3A_32, %swap3A_33], %swap3A_36 {strides = array<i32>} : memref<5x80xi32, #tpu.memory_space<vmem>>, vector<1x16xi32>,
      %get3A_37 = arith.constant 32 : index
      %get3A_38 = tpu.vector_load %arg7[%get3A_37] {strides = array<i32>} : memref<400xi32, #tpu.memory_space<vmem>>, vector<16xi32>,
      %get3A_39 = vector.shape_cast %get3A_38 : vector<16xi32> to vector<16xi32>
      %swap3A_40 = arith.constant 0 : i32
      %swap3A_41 = arith.index_cast %swap3A_40 : i32 to index
      %swap3A_42 = arith.constant 32 : index
      %swap3A_43 = tpu.vector_load %arg8[%swap3A_41, %swap3A_42] {strides = array<i32>} : memref<5x80xi32, #tpu.memory_space<vmem>>, vector<1x16xi32>,
      %swap3A_44 = vector.shape_cast %swap3A_43 : vector<1x16xi32> to vector<16xi32>
      %swap3A_45 = vector.shape_cast %get3A_39 : vector<16xi32> to vector<1x16xi32>
      tpu.vector_store %arg8[%swap3A_41, %swap3A_42], %swap3A_45 {strides = array<i32>} : memref<5x80xi32, #tpu.memory_space<vmem>>, vector<1x16xi32>,
      %get3A_46 = arith.constant 48 : index
      %get3A_47 = tpu.vector_load %arg7[%get3A_46] {strides = array<i32>} : memref<400xi32, #tpu.memory_space<vmem>>, vector<16xi32>,
      %get3A_48 = vector.shape_cast %get3A_47 : vector<16xi32> to vector<16xi32>
      %swap3A_49 = arith.constant 0 : i32
      %swap3A_50 = arith.index_cast %swap3A_49 : i32 to index
      %swap3A_51 = arith.constant 48 : index
      %swap3A_52 = tpu.vector_load %arg8[%swap3A_50, %swap3A_51] {strides = array<i32>} : memref<5x80xi32, #tpu.memory_space<vmem>>, vector<1x16xi32>,
      %swap3A_53 = vector.shape_cast %swap3A_52 : vector<1x16xi32> to vector<16xi32>
      %swap3A_54 = vector.shape_cast %get3A_48 : vector<16xi32> to vector<1x16xi32>
      tpu.vector_store %arg8[%swap3A_50, %swap3A_51], %swap3A_54 {strides = array<i32>} : memref<5x80xi32, #tpu.memory_space<vmem>>, vector<1x16xi32>,
      %get3A_55 = arith.constant 64 : index
      %get3A_56 = tpu.vector_load %arg7[%get3A_55] {strides = array<i32>} : memref<400xi32, #tpu.memory_space<vmem>>, vector<16xi32>,
      %get3A_57 = vector.shape_cast %get3A_56 : vector<16xi32> to vector<16xi32>
      %swap3A_58 = arith.constant 0 : i32
      %swap3A_59 = arith.index_cast %swap3A_58 : i32 to index
      %swap3A_60 = arith.constant 64 : index
      %swap3A_61 = tpu.vector_load %arg8[%swap3A_59, %swap3A_60] {strides = array<i32>} : memref<5x80xi32, #tpu.memory_space<vmem>>, vector<1x16xi32>,
      %swap3A_62 = vector.shape_cast %swap3A_61 : vector<1x16xi32> to vector<16xi32>
      %swap3A_63 = vector.shape_cast %get3A_57 : vector<16xi32> to vector<1x16xi32>
      tpu.vector_store %arg8[%swap3A_59, %swap3A_60], %swap3A_63 {strides = array<i32>} : memref<5x80xi32, #tpu.memory_space<vmem>>, vector<1x16xi32>,
      %get3A_64 = arith.constant 80 : index
      %get3A_65 = tpu.vector_load %arg7[%get3A_64] {strides = array<i32>} : memref<400xi32, #tpu.memory_space<vmem>>, vector<16xi32>,
      %get3A_66 = vector.shape_cast %get3A_65 : vector<16xi32> to vector<16xi32>
      %swap3A_67 = arith.constant 1 : i32
      %swap3A_68 = arith.index_cast %swap3A_67 : i32 to index
      %swap3A_69 = arith.constant 0 : index
      %swap3A_70 = tpu.vector_load %arg8[%swap3A_68, %swap3A_69] {strides = array<i32>} : memref<5x80xi32, #tpu.memory_space<vmem>>, vector<1x16xi32>,
      %swap3A_71 = vector.shape_cast %swap3A_70 : vector<1x16xi32> to vector<16xi32>
      %swap3A_72 = vector.shape_cast %get3A_66 : vector<16xi32> to vector<1x16xi32>
      tpu.vector_store %arg8[%swap3A_68, %swap3A_69], %swap3A_72 {strides = array<i32>} : memref<5x80xi32, #tpu.memory_space<vmem>>, vector<1x16xi32>,
      %get3A_73 = arith.constant 96 : index
      %get3A_74 = tpu.vector_load %arg7[%get3A_73] {strides = array<i32>} : memref<400xi32, #tpu.memory_space<vmem>>, vector<16xi32>,
      %get3A_75 = vector.shape_cast %get3A_74 : vector<16xi32> to vector<16xi32>
      %swap3A_76 = arith.constant 1 : i32
      %swap3A_77 = arith.index_cast %swap3A_76 : i32 to index
      %swap3A_78 = arith.constant 16 : index
      %swap3A_79 = tpu.vector_load %arg8[%swap3A_77, %swap3A_78] {strides = array<i32>} : memref<5x80xi32, #tpu.memory_space<vmem>>, vector<1x16xi32>,
      %swap3A_80 = vector.shape_cast %swap3A_79 : vector<1x16xi32> to vector<16xi32>
      %swap3A_81 = vector.shape_cast %get3A_75 : vector<16xi32> to vector<1x16xi32>
      tpu.vector_store %arg8[%swap3A_77, %swap3A_78], %swap3A_81 {strides = array<i32>} : memref<5x80xi32, #tpu.memory_space<vmem>>, vector<1x16xi32>,
      %get3A_82 = arith.constant 112 : index
      %get3A_83 = tpu.vector_load %arg7[%get3A_82] {strides = array<i32>} : memref<400xi32, #tpu.memory_space<vmem>>, vector<16xi32>,
      %get3A_84 = vector.shape_cast %get3A_83 : vector<16xi32> to vector<16xi32>
      %swap3A_85 = arith.constant 1 : i32
      %swap3A_86 = arith.index_cast %swap3A_85 : i32 to index
      %swap3A_87 = arith.constant 32 : index
      %swap3A_88 = tpu.vector_load %arg8[%swap3A_86, %swap3A_87] {strides = array<i32>} : memref<5x80xi32, #tpu.memory_space<vmem>>, vector<1x16xi32>,
      %swap3A_89 = vector.shape_cast %swap3A_88 : vector<1x16xi32> to vector<16xi32>
      %swap3A_90 = vector.shape_cast %get3A_84 : vector<16xi32> to vector<1x16xi32>
      tpu.vector_store %arg8[%swap3A_86, %swap3A_87], %swap3A_90 {strides = array<i32>} : memref<5x80xi32, #tpu.memory_space<vmem>>, vector<1x16xi32>,
      %get3A_91 = arith.constant 128 : index
      %get3A_92 = tpu.vector_load %arg7[%get3A_91] {strides = array<i32>} : memref<400xi32, #tpu.memory_space<vmem>>, vector<16xi32>,
      %get3A_93 = vector.shape_cast %get3A_92 : vector<16xi32> to vector<16xi32>
      %swap3A_94 = arith.constant 1 : i32
      %swap3A_95 = arith.index_cast %swap3A_94 : i32 to index
      %swap3A_96 = arith.constant 48 : index
      %swap3A_97 = tpu.vector_load %arg8[%swap3A_95, %swap3A_96] {strides = array<i32>} : memref<5x80xi32, #tpu.memory_space<vmem>>, vector<1x16xi32>,
      %swap3A_98 = vector.shape_cast %swap3A_97 : vector<1x16xi32> to vector<16xi32>
      %swap3A_99 = vector.shape_cast %get3A_93 : vector<16xi32> to vector<1x16xi32>
      tpu.vector_store %arg8[%swap3A_95, %swap3A_96], %swap3A_99 {strides = array<i32>} : memref<5x80xi32, #tpu.memory_space<vmem>>, vector<1x16xi32>,
      %get3A_100 = arith.constant 144 : index
      %get3A_101 = tpu.vector_load %arg7[%get3A_100] {strides = array<i32>} : memref<400xi32, #tpu.memory_space<vmem>>, vector<16xi32>,
      %get3A_102 = vector.shape_cast %get3A_101 : vector<16xi32> to vector<16xi32>
      %swap3A_103 = arith.constant 1 : i32
      %swap3A_104 = arith.index_cast %swap3A_103 : i32 to index
      %swap3A_105 = arith.constant 64 : index
      %swap3A_106 = tpu.vector_load %arg8[%swap3A_104, %swap3A_105] {strides = array<i32>} : memref<5x80xi32, #tpu.memory_space<vmem>>, vector<1x16xi32>,
      %swap3A_107 = vector.shape_cast %swap3A_106 : vector<1x16xi32> to vector<16xi32>
      %swap3A_108 = vector.shape_cast %get3A_102 : vector<16xi32> to vector<1x16xi32>
      tpu.vector_store %arg8[%swap3A_104, %swap3A_105], %swap3A_108 {strides = array<i32>} : memref<5x80xi32, #tpu.memory_space<vmem>>, vector<1x16xi32>,
      %get3A_109 = arith.constant 160 : index
      %get3A_110 = tpu.vector_load %arg7[%get3A_109] {strides = array<i32>} : memref<400xi32, #tpu.memory_space<vmem>>, vector<16xi32>,
      %get3A_111 = vector.shape_cast %get3A_110 : vector<16xi32> to vector<16xi32>
      %swap3A_112 = arith.constant 2 : i32
      %swap3A_113 = arith.index_cast %swap3A_112 : i32 to index
      %swap3A_114 = arith.constant 0 : index
      %swap3A_115 = tpu.vector_load %arg8[%swap3A_113, %swap3A_114] {strides = array<i32>} : memref<5x80xi32, #tpu.memory_space<vmem>>, vector<1x16xi32>,
      %swap3A_116 = vector.shape_cast %swap3A_115 : vector<1x16xi32> to vector<16xi32>
      %swap3A_117 = vector.shape_cast %get3A_111 : vector<16xi32> to vector<1x16xi32>
      tpu.vector_store %arg8[%swap3A_113, %swap3A_114], %swap3A_117 {strides = array<i32>} : memref<5x80xi32, #tpu.memory_space<vmem>>, vector<1x16xi32>,
      %get3A_118 = arith.constant 176 : index
      %get3A_119 = tpu.vector_load %arg7[%get3A_118] {strides = array<i32>} : memref<400xi32, #tpu.memory_space<vmem>>, vector<16xi32>,
      %get3A_120 = vector.shape_cast %get3A_119 : vector<16xi32> to vector<16xi32>
      %swap3A_121 = arith.constant 2 : i32
      %swap3A_122 = arith.index_cast %swap3A_121 : i32 to index
      %swap3A_123 = arith.constant 16 : index
      %swap3A_124 = tpu.vector_load %arg8[%swap3A_122, %swap3A_123] {strides = array<i32>} : memref<5x80xi32, #tpu.memory_space<vmem>>, vector<1x16xi32>,
      %swap3A_125 = vector.shape_cast %swap3A_124 : vector<1x16xi32> to vector<16xi32>
      %swap3A_126 = vector.shape_cast %get3A_120 : vector<16xi32> to vector<1x16xi32>
      tpu.vector_store %arg8[%swap3A_122, %swap3A_123], %swap3A_126 {strides = array<i32>} : memref<5x80xi32, #tpu.memory_space<vmem>>, vector<1x16xi32>,
      %get3A_127 = arith.constant 192 : index
      %get3A_128 = tpu.vector_load %arg7[%get3A_127] {strides = array<i32>} : memref<400xi32, #tpu.memory_space<vmem>>, vector<16xi32>,
      %get3A_129 = vector.shape_cast %get3A_128 : vector<16xi32> to vector<16xi32>
      %swap3A_130 = arith.constant 2 : i32
      %swap3A_131 = arith.index_cast %swap3A_130 : i32 to index
      %swap3A_132 = arith.constant 32 : index
      %swap3A_133 = tpu.vector_load %arg8[%swap3A_131, %swap3A_132] {strides = array<i32>} : memref<5x80xi32, #tpu.memory_space<vmem>>, vector<1x16xi32>,
      %swap3A_134 = vector.shape_cast %swap3A_133 : vector<1x16xi32> to vector<16xi32>
      %swap3A_135 = vector.shape_cast %get3A_129 : vector<16xi32> to vector<1x16xi32>
      tpu.vector_store %arg8[%swap3A_131, %swap3A_132], %swap3A_135 {strides = array<i32>} : memref<5x80xi32, #tpu.memory_space<vmem>>, vector<1x16xi32>,
      %get3A_136 = arith.constant 208 : index
      %get3A_137 = tpu.vector_load %arg7[%get3A_136] {strides = array<i32>} : memref<400xi32, #tpu.memory_space<vmem>>, vector<16xi32>,
      %get3A_138 = vector.shape_cast %get3A_137 : vector<16xi32> to vector<16xi32>
      %swap3A_139 = arith.constant 2 : i32
      %swap3A_140 = arith.index_cast %swap3A_139 : i32 to index
      %swap3A_141 = arith.constant 48 : index
      %swap3A_142 = tpu.vector_load %arg8[%swap3A_140, %swap3A_141] {strides = array<i32>} : memref<5x80xi32, #tpu.memory_space<vmem>>, vector<1x16xi32>,
      %swap3A_143 = vector.shape_cast %swap3A_142 : vector<1x16xi32> to vector<16xi32>
      %swap3A_144 = vector.shape_cast %get3A_138 : vector<16xi32> to vector<1x16xi32>
      tpu.vector_store %arg8[%swap3A_140, %swap3A_141], %swap3A_144 {strides = array<i32>} : memref<5x80xi32, #tpu.memory_space<vmem>>, vector<1x16xi32>,
      %get3A_145 = arith.constant 224 : index
      %get3A_146 = tpu.vector_load %arg7[%get3A_145] {strides = array<i32>} : memref<400xi32, #tpu.memory_space<vmem>>, vector<16xi32>,
      %get3A_147 = vector.shape_cast %get3A_146 : vector<16xi32> to vector<16xi32>
      %swap3A_148 = arith.constant 2 : i32
      %swap3A_149 = arith.index_cast %swap3A_148 : i32 to index
      %swap3A_150 = arith.constant 64 : index
      %swap3A_151 = tpu.vector_load %arg8[%swap3A_149, %swap3A_150] {strides = array<i32>} : memref<5x80xi32, #tpu.memory_space<vmem>>, vector<1x16xi32>,
      %swap3A_152 = vector.shape_cast %swap3A_151 : vector<1x16xi32> to vector<16xi32>
      %swap3A_153 = vector.shape_cast %get3A_147 : vector<16xi32> to vector<1x16xi32>
      tpu.vector_store %arg8[%swap3A_149, %swap3A_150], %swap3A_153 {strides = array<i32>} : memref<5x80xi32, #tpu.memory_space<vmem>>, vector<1x16xi32>,
      %get3A_154 = arith.constant 240 : index
      %get3A_155 = tpu.vector_load %arg7[%get3A_154] {strides = array<i32>} : memref<400xi32, #tpu.memory_space<vmem>>, vector<16xi32>,
      %get3A_156 = vector.shape_cast %get3A_155 : vector<16xi32> to vector<16xi32>
      %swap3A_157 = arith.constant 3 : i32
      %swap3A_158 = arith.index_cast %swap3A_157 : i32 to index
      %swap3A_159 = arith.constant 0 : index
      %swap3A_160 = tpu.vector_load %arg8[%swap3A_158, %swap3A_159] {strides = array<i32>} : memref<5x80xi32, #tpu.memory_space<vmem>>, vector<1x16xi32>,
      %swap3A_161 = vector.shape_cast %swap3A_160 : vector<1x16xi32> to vector<16xi32>
      %swap3A_162 = vector.shape_cast %get3A_156 : vector<16xi32> to vector<1x16xi32>
      tpu.vector_store %arg8[%swap3A_158, %swap3A_159], %swap3A_162 {strides = array<i32>} : memref<5x80xi32, #tpu.memory_space<vmem>>, vector<1x16xi32>,
      %get3A_163 = arith.constant 256 : index
      %get3A_164 = tpu.vector_load %arg7[%get3A_163] {strides = array<i32>} : memref<400xi32, #tpu.memory_space<vmem>>, vector<16xi32>,
      %get3A_165 = vector.shape_cast %get3A_164 : vector<16xi32> to vector<16xi32>
      %swap3A_166 = arith.constant 3 : i32
      %swap3A_167 = arith.index_cast %swap3A_166 : i32 to index
      %swap3A_168 = arith.constant 16 : index
      %swap3A_169 = tpu.vector_load %arg8[%swap3A_167, %swap3A_168] {strides = array<i32>} : memref<5x80xi32, #tpu.memory_space<vmem>>, vector<1x16xi32>,
      %swap3A_170 = vector.shape_cast %swap3A_169 : vector<1x16xi32> to vector<16xi32>
      %swap3A_171 = vector.shape_cast %get3A_165 : vector<16xi32> to vector<1x16xi32>
      tpu.vector_store %arg8[%swap3A_167, %swap3A_168], %swap3A_171 {strides = array<i32>} : memref<5x80xi32, #tpu.memory_space<vmem>>, vector<1x16xi32>,
      %get3A_172 = arith.constant 272 : index
      %get3A_173 = tpu.vector_load %arg7[%get3A_172] {strides = array<i32>} : memref<400xi32, #tpu.memory_space<vmem>>, vector<16xi32>,
      %get3A_174 = vector.shape_cast %get3A_173 : vector<16xi32> to vector<16xi32>
      %swap3A_175 = arith.constant 3 : i32
      %swap3A_176 = arith.index_cast %swap3A_175 : i32 to index
      %swap3A_177 = arith.constant 32 : index
      %swap3A_178 = tpu.vector_load %arg8[%swap3A_176, %swap3A_177] {strides = array<i32>} : memref<5x80xi32, #tpu.memory_space<vmem>>, vector<1x16xi32>,
      %swap3A_179 = vector.shape_cast %swap3A_178 : vector<1x16xi32> to vector<16xi32>
      %swap3A_180 = vector.shape_cast %get3A_174 : vector<16xi32> to vector<1x16xi32>
      tpu.vector_store %arg8[%swap3A_176, %swap3A_177], %swap3A_180 {strides = array<i32>} : memref<5x80xi32, #tpu.memory_space<vmem>>, vector<1x16xi32>,
      %get3A_181 = arith.constant 288 : index
      %get3A_182 = tpu.vector_load %arg7[%get3A_181] {strides = array<i32>} : memref<400xi32, #tpu.memory_space<vmem>>, vector<16xi32>,
      %get3A_183 = vector.shape_cast %get3A_182 : vector<16xi32> to vector<16xi32>
      %swap3A_184 = arith.constant 3 : i32
      %swap3A_185 = arith.index_cast %swap3A_184 : i32 to index
      %swap3A_186 = arith.constant 48 : index
      %swap3A_187 = tpu.vector_load %arg8[%swap3A_185, %swap3A_186] {strides = array<i32>} : memref<5x80xi32, #tpu.memory_space<vmem>>, vector<1x16xi32>,
      %swap3A_188 = vector.shape_cast %swap3A_187 : vector<1x16xi32> to vector<16xi32>
      %swap3A_189 = vector.shape_cast %get3A_183 : vector<16xi32> to vector<1x16xi32>
      tpu.vector_store %arg8[%swap3A_185, %swap3A_186], %swap3A_189 {strides = array<i32>} : memref<5x80xi32, #tpu.memory_space<vmem>>, vector<1x16xi32>,
      %get3A_190 = arith.constant 304 : index
      %get3A_191 = tpu.vector_load %arg7[%get3A_190] {strides = array<i32>} : memref<400xi32, #tpu.memory_space<vmem>>, vector<16xi32>,
      %get3A_192 = vector.shape_cast %get3A_191 : vector<16xi32> to vector<16xi32>
      %swap3A_193 = arith.constant 3 : i32
      %swap3A_194 = arith.index_cast %swap3A_193 : i32 to index
      %swap3A_195 = arith.constant 64 : index
      %swap3A_196 = tpu.vector_load %arg8[%swap3A_194, %swap3A_195] {strides = array<i32>} : memref<5x80xi32, #tpu.memory_space<vmem>>, vector<1x16xi32>,
      %swap3A_197 = vector.shape_cast %swap3A_196 : vector<1x16xi32> to vector<16xi32>
      %swap3A_198 = vector.shape_cast %get3A_192 : vector<16xi32> to vector<1x16xi32>
      tpu.vector_store %arg8[%swap3A_194, %swap3A_195], %swap3A_198 {strides = array<i32>} : memref<5x80xi32, #tpu.memory_space<vmem>>, vector<1x16xi32>,
      %get3A_199 = arith.constant 320 : index
      %get3A_200 = tpu.vector_load %arg7[%get3A_199] {strides = array<i32>} : memref<400xi32, #tpu.memory_space<vmem>>, vector<16xi32>,
      %get3A_201 = vector.shape_cast %get3A_200 : vector<16xi32> to vector<16xi32>
      %swap3A_202 = arith.constant 4 : i32
      %swap3A_203 = arith.index_cast %swap3A_202 : i32 to index
      %swap3A_204 = arith.constant 0 : index
      %swap3A_205 = tpu.vector_load %arg8[%swap3A_203, %swap3A_204] {strides = array<i32>} : memref<5x80xi32, #tpu.memory_space<vmem>>, vector<1x16xi32>,
      %swap3A_206 = vector.shape_cast %swap3A_205 : vector<1x16xi32> to vector<16xi32>
      %swap3A_207 = vector.shape_cast %get3A_201 : vector<16xi32> to vector<1x16xi32>
      tpu.vector_store %arg8[%swap3A_203, %swap3A_204], %swap3A_207 {strides = array<i32>} : memref<5x80xi32, #tpu.memory_space<vmem>>, vector<1x16xi32>,
      %get3A_208 = arith.constant 336 : index
      %get3A_209 = tpu.vector_load %arg7[%get3A_208] {strides = array<i32>} : memref<400xi32, #tpu.memory_space<vmem>>, vector<16xi32>,
      %get3A_210 = vector.shape_cast %get3A_209 : vector<16xi32> to vector<16xi32>
      %swap3A_211 = arith.constant 4 : i32
      %swap3A_212 = arith.index_cast %swap3A_211 : i32 to index
      %swap3A_213 = arith.constant 16 : index
      %swap3A_214 = tpu.vector_load %arg8[%swap3A_212, %swap3A_213] {strides = array<i32>} : memref<5x80xi32, #tpu.memory_space<vmem>>, vector<1x16xi32>,
      %swap3A_215 = vector.shape_cast %swap3A_214 : vector<1x16xi32> to vector<16xi32>
      %swap3A_216 = vector.shape_cast %get3A_210 : vector<16xi32> to vector<1x16xi32>
      tpu.vector_store %arg8[%swap3A_212, %swap3A_213], %swap3A_216 {strides = array<i32>} : memref<5x80xi32, #tpu.memory_space<vmem>>, vector<1x16xi32>,
      %get3A_217 = arith.constant 352 : index
      %get3A_218 = tpu.vector_load %arg7[%get3A_217] {strides = array<i32>} : memref<400xi32, #tpu.memory_space<vmem>>, vector<16xi32>,
      %get3A_219 = vector.shape_cast %get3A_218 : vector<16xi32> to vector<16xi32>
      %swap3A_220 = arith.constant 4 : i32
      %swap3A_221 = arith.index_cast %swap3A_220 : i32 to index
      %swap3A_222 = arith.constant 32 : index
      %swap3A_223 = tpu.vector_load %arg8[%swap3A_221, %swap3A_222] {strides = array<i32>} : memref<5x80xi32, #tpu.memory_space<vmem>>, vector<1x16xi32>,
      %swap3A_224 = vector.shape_cast %swap3A_223 : vector<1x16xi32> to vector<16xi32>
      %swap3A_225 = vector.shape_cast %get3A_219 : vector<16xi32> to vector<1x16xi32>
      tpu.vector_store %arg8[%swap3A_221, %swap3A_222], %swap3A_225 {strides = array<i32>} : memref<5x80xi32, #tpu.memory_space<vmem>>, vector<1x16xi32>,
      %get3A_226 = arith.constant 368 : index
      %get3A_227 = tpu.vector_load %arg7[%get3A_226] {strides = array<i32>} : memref<400xi32, #tpu.memory_space<vmem>>, vector<16xi32>,
      %get3A_228 = vector.shape_cast %get3A_227 : vector<16xi32> to vector<16xi32>
      %swap3A_229 = arith.constant 4 : i32
      %swap3A_230 = arith.index_cast %swap3A_229 : i32 to index
      %swap3A_231 = arith.constant 48 : index
      %swap3A_232 = tpu.vector_load %arg8[%swap3A_230, %swap3A_231] {strides = array<i32>} : memref<5x80xi32, #tpu.memory_space<vmem>>, vector<1x16xi32>,
      %swap3A_233 = vector.shape_cast %swap3A_232 : vector<1x16xi32> to vector<16xi32>
      %swap3A_234 = vector.shape_cast %get3A_228 : vector<16xi32> to vector<1x16xi32>
      tpu.vector_store %arg8[%swap3A_230, %swap3A_231], %swap3A_234 {strides = array<i32>} : memref<5x80xi32, #tpu.memory_space<vmem>>, vector<1x16xi32>,
      %get3A_235 = arith.constant 384 : index
      %get3A_236 = tpu.vector_load %arg7[%get3A_235] {strides = array<i32>} : memref<400xi32, #tpu.memory_space<vmem>>, vector<16xi32>,
      %get3A_237 = vector.shape_cast %get3A_236 : vector<16xi32> to vector<16xi32>
      %swap3A_238 = arith.constant 4 : i32
      %swap3A_239 = arith.index_cast %swap3A_238 : i32 to index
      %swap3A_240 = arith.constant 64 : index
      %swap3A_241 = tpu.vector_load %arg8[%swap3A_239, %swap3A_240] {strides = array<i32>} : memref<5x80xi32, #tpu.memory_space<vmem>>, vector<1x16xi32>,
      %swap3A_242 = vector.shape_cast %swap3A_241 : vector<1x16xi32> to vector<16xi32>
      %swap3A_243 = vector.shape_cast %get3A_237 : vector<16xi32> to vector<1x16xi32>
      tpu.vector_store %arg8[%swap3A_239, %swap3A_240], %swap3A_243 {strides = array<i32>} : memref<5x80xi32, #tpu.memory_space<vmem>>, vector<1x16xi32>,
      %run_scoped3A = arith.constant 0 : i32
      "tpu.region"() ({
        %run_scoped3A_248 = tpu.sem_alloc : memref<!tpu.dma_semaphore, #tpu.memory_space<semaphore_mem>>
        %dma_start3A = arith.constant 0 : i32
        %dma_start3A_249 = arith.constant 0 : i32
        %dma_start3A_250 = tpu.memref_slice %arg6[%dma_start3A, %dma_start3A_249] : memref<400x128xf32, #tpu.memory_space<vmem>> -> memref<80x128xf32, #tpu.memory_space<vmem>>
        %dma_start3A_251 = arith.constant 0 : i32
        %dma_start3A_252 = tpu.memref_slice %arg8[%run_scoped3A, %dma_start3A_251] : memref<5x80xi32, #tpu.memory_space<vmem>> -> memref<1x80xi32, #tpu.memory_space<vmem>>
        %dma_start3A_253 = tpu.memref_squeeze %dma_start3A_252 : memref<1x80xi32, #tpu.memory_space<vmem>> -> memref<80xi32, #tpu.memory_space<vmem>>
        %dma_start3A_254 = arith.constant 0 : i32
        %dma_start3A_255 = arith.constant 0 : i32
        %dma_start3A_256 = tpu.memref_slice %arg9[%dma_start3A_254, %dma_start3A_255] : memref<1024x128xf32, #tpu.memory_space<vmem_shared>> -> memref<1024x128xf32, #tpu.memory_space<vmem_shared>>
        tpu.enqueue_indirect_dma source(%dma_start3A_250 : memref<80x128xf32, #tpu.memory_space<vmem>>) target(%dma_start3A_256 : memref<1024x128xf32, #tpu.memory_space<vmem_shared>>) offsets(%dma_start3A_253 : memref<80xi32, #tpu.memory_space<vmem>>) semaphore(%run_scoped3A_248 : memref<!tpu.dma_semaphore, #tpu.memory_space<semaphore_mem>>) {add = true}
        %dma_wait3A = arith.constant 0 : i32
        %dma_wait3A_257 = arith.constant 0 : i32
        %dma_wait3A_258 = tpu.memref_slice %arg6[%dma_wait3A, %dma_wait3A_257] : memref<400x128xf32, #tpu.memory_space<vmem>> -> memref<80x128xf32, #tpu.memory_space<vmem>>
        %dma_wait3A_259 = arith.constant 0 : i32
        %dma_wait3A_260 = tpu.memref_slice %arg8[%run_scoped3A, %dma_wait3A_259] : memref<5x80xi32, #tpu.memory_space<vmem>> -> memref<1x80xi32, #tpu.memory_space<vmem>>
        %dma_wait3A_261 = tpu.memref_squeeze %dma_wait3A_260 : memref<1x80xi32, #tpu.memory_space<vmem>> -> memref<80xi32, #tpu.memory_space<vmem>>
        %dma_wait3A_262 = arith.constant 0 : i32
        %dma_wait3A_263 = arith.constant 0 : i32
        %dma_wait3A_264 = tpu.memref_slice %arg9[%dma_wait3A_262, %dma_wait3A_263] : memref<1024x128xf32, #tpu.memory_space<vmem_shared>> -> memref<1024x128xf32, #tpu.memory_space<vmem_shared>>
        tpu.wait_indirect_dma semaphore(%run_scoped3A_248 : memref<!tpu.dma_semaphore, #tpu.memory_space<semaphore_mem>>) src(%dma_wait3A_258 : memref<80x128xf32, #tpu.memory_space<vmem>>) dst(%dma_wait3A_264 : memref<1024x128xf32, #tpu.memory_space<vmem_shared>>)
        tpu.yield
      }) : () -> ()
      %run_scoped3A_244 = arith.constant 1 : i32
      "tpu.region"() ({
        %run_scoped3A_248 = tpu.sem_alloc : memref<!tpu.dma_semaphore, #tpu.memory_space<semaphore_mem>>
        %dma_start3A = arith.constant 80 : i32
        %dma_start3A_249 = arith.constant 0 : i32
        %dma_start3A_250 = tpu.memref_slice %arg6[%dma_start3A, %dma_start3A_249] : memref<400x128xf32, #tpu.memory_space<vmem>> -> memref<80x128xf32, #tpu.memory_space<vmem>>
        %dma_start3A_251 = arith.constant 0 : i32
        %dma_start3A_252 = tpu.memref_slice %arg8[%run_scoped3A_244, %dma_start3A_251] : memref<5x80xi32, #tpu.memory_space<vmem>> -> memref<1x80xi32, #tpu.memory_space<vmem>>
        %dma_start3A_253 = tpu.memref_squeeze %dma_start3A_252 : memref<1x80xi32, #tpu.memory_space<vmem>> -> memref<80xi32, #tpu.memory_space<vmem>>
        %dma_start3A_254 = arith.constant 0 : i32
        %dma_start3A_255 = arith.constant 0 : i32
        %dma_start3A_256 = tpu.memref_slice %arg9[%dma_start3A_254, %dma_start3A_255] : memref<1024x128xf32, #tpu.memory_space<vmem_shared>> -> memref<1024x128xf32, #tpu.memory_space<vmem_shared>>
        tpu.enqueue_indirect_dma source(%dma_start3A_250 : memref<80x128xf32, #tpu.memory_space<vmem>>) target(%dma_start3A_256 : memref<1024x128xf32, #tpu.memory_space<vmem_shared>>) offsets(%dma_start3A_253 : memref<80xi32, #tpu.memory_space<vmem>>) semaphore(%run_scoped3A_248 : memref<!tpu.dma_semaphore, #tpu.memory_space<semaphore_mem>>) {add = true}
        %dma_wait3A = arith.constant 80 : i32
        %dma_wait3A_257 = arith.constant 0 : i32
        %dma_wait3A_258 = tpu.memref_slice %arg6[%dma_wait3A, %dma_wait3A_257] : memref<400x128xf32, #tpu.memory_space<vmem>> -> memref<80x128xf32, #tpu.memory_space<vmem>>
        %dma_wait3A_259 = arith.constant 0 : i32
        %dma_wait3A_260 = tpu.memref_slice %arg8[%run_scoped3A_244, %dma_wait3A_259] : memref<5x80xi32, #tpu.memory_space<vmem>> -> memref<1x80xi32, #tpu.memory_space<vmem>>
        %dma_wait3A_261 = tpu.memref_squeeze %dma_wait3A_260 : memref<1x80xi32, #tpu.memory_space<vmem>> -> memref<80xi32, #tpu.memory_space<vmem>>
        %dma_wait3A_262 = arith.constant 0 : i32
        %dma_wait3A_263 = arith.constant 0 : i32
        %dma_wait3A_264 = tpu.memref_slice %arg9[%dma_wait3A_262, %dma_wait3A_263] : memref<1024x128xf32, #tpu.memory_space<vmem_shared>> -> memref<1024x128xf32, #tpu.memory_space<vmem_shared>>
        tpu.wait_indirect_dma semaphore(%run_scoped3A_248 : memref<!tpu.dma_semaphore, #tpu.memory_space<semaphore_mem>>) src(%dma_wait3A_258 : memref<80x128xf32, #tpu.memory_space<vmem>>) dst(%dma_wait3A_264 : memref<1024x128xf32, #tpu.memory_space<vmem_shared>>)
        tpu.yield
      }) : () -> ()
      %run_scoped3A_245 = arith.constant 2 : i32
      "tpu.region"() ({
        %run_scoped3A_248 = tpu.sem_alloc : memref<!tpu.dma_semaphore, #tpu.memory_space<semaphore_mem>>
        %dma_start3A = arith.constant 160 : i32
        %dma_start3A_249 = arith.constant 0 : i32
        %dma_start3A_250 = tpu.memref_slice %arg6[%dma_start3A, %dma_start3A_249] : memref<400x128xf32, #tpu.memory_space<vmem>> -> memref<80x128xf32, #tpu.memory_space<vmem>>
        %dma_start3A_251 = arith.constant 0 : i32
        %dma_start3A_252 = tpu.memref_slice %arg8[%run_scoped3A_245, %dma_start3A_251] : memref<5x80xi32, #tpu.memory_space<vmem>> -> memref<1x80xi32, #tpu.memory_space<vmem>>
        %dma_start3A_253 = tpu.memref_squeeze %dma_start3A_252 : memref<1x80xi32, #tpu.memory_space<vmem>> -> memref<80xi32, #tpu.memory_space<vmem>>
        %dma_start3A_254 = arith.constant 0 : i32
        %dma_start3A_255 = arith.constant 0 : i32
        %dma_start3A_256 = tpu.memref_slice %arg9[%dma_start3A_254, %dma_start3A_255] : memref<1024x128xf32, #tpu.memory_space<vmem_shared>> -> memref<1024x128xf32, #tpu.memory_space<vmem_shared>>
        tpu.enqueue_indirect_dma source(%dma_start3A_250 : memref<80x128xf32, #tpu.memory_space<vmem>>) target(%dma_start3A_256 : memref<1024x128xf32, #tpu.memory_space<vmem_shared>>) offsets(%dma_start3A_253 : memref<80xi32, #tpu.memory_space<vmem>>) semaphore(%run_scoped3A_248 : memref<!tpu.dma_semaphore, #tpu.memory_space<semaphore_mem>>) {add = true}
        %dma_wait3A = arith.constant 160 : i32
        %dma_wait3A_257 = arith.constant 0 : i32
        %dma_wait3A_258 = tpu.memref_slice %arg6[%dma_wait3A, %dma_wait3A_257] : memref<400x128xf32, #tpu.memory_space<vmem>> -> memref<80x128xf32, #tpu.memory_space<vmem>>
        %dma_wait3A_259 = arith.constant 0 : i32
        %dma_wait3A_260 = tpu.memref_slice %arg8[%run_scoped3A_245, %dma_wait3A_259] : memref<5x80xi32, #tpu.memory_space<vmem>> -> memref<1x80xi32, #tpu.memory_space<vmem>>
        %dma_wait3A_261 = tpu.memref_squeeze %dma_wait3A_260 : memref<1x80xi32, #tpu.memory_space<vmem>> -> memref<80xi32, #tpu.memory_space<vmem>>
        %dma_wait3A_262 = arith.constant 0 : i32
        %dma_wait3A_263 = arith.constant 0 : i32
        %dma_wait3A_264 = tpu.memref_slice %arg9[%dma_wait3A_262, %dma_wait3A_263] : memref<1024x128xf32, #tpu.memory_space<vmem_shared>> -> memref<1024x128xf32, #tpu.memory_space<vmem_shared>>
        tpu.wait_indirect_dma semaphore(%run_scoped3A_248 : memref<!tpu.dma_semaphore, #tpu.memory_space<semaphore_mem>>) src(%dma_wait3A_258 : memref<80x128xf32, #tpu.memory_space<vmem>>) dst(%dma_wait3A_264 : memref<1024x128xf32, #tpu.memory_space<vmem_shared>>)
        tpu.yield
      }) : () -> ()
      %run_scoped3A_246 = arith.constant 3 : i32
      "tpu.region"() ({
        %run_scoped3A_248 = tpu.sem_alloc : memref<!tpu.dma_semaphore, #tpu.memory_space<semaphore_mem>>
        %dma_start3A = arith.constant 240 : i32
        %dma_start3A_249 = arith.constant 0 : i32
        %dma_start3A_250 = tpu.memref_slice %arg6[%dma_start3A, %dma_start3A_249] : memref<400x128xf32, #tpu.memory_space<vmem>> -> memref<80x128xf32, #tpu.memory_space<vmem>>
        %dma_start3A_251 = arith.constant 0 : i32
        %dma_start3A_252 = tpu.memref_slice %arg8[%run_scoped3A_246, %dma_start3A_251] : memref<5x80xi32, #tpu.memory_space<vmem>> -> memref<1x80xi32, #tpu.memory_space<vmem>>
        %dma_start3A_253 = tpu.memref_squeeze %dma_start3A_252 : memref<1x80xi32, #tpu.memory_space<vmem>> -> memref<80xi32, #tpu.memory_space<vmem>>
        %dma_start3A_254 = arith.constant 0 : i32
        %dma_start3A_255 = arith.constant 0 : i32
        %dma_start3A_256 = tpu.memref_slice %arg9[%dma_start3A_254, %dma_start3A_255] : memref<1024x128xf32, #tpu.memory_space<vmem_shared>> -> memref<1024x128xf32, #tpu.memory_space<vmem_shared>>
        tpu.enqueue_indirect_dma source(%dma_start3A_250 : memref<80x128xf32, #tpu.memory_space<vmem>>) target(%dma_start3A_256 : memref<1024x128xf32, #tpu.memory_space<vmem_shared>>) offsets(%dma_start3A_253 : memref<80xi32, #tpu.memory_space<vmem>>) semaphore(%run_scoped3A_248 : memref<!tpu.dma_semaphore, #tpu.memory_space<semaphore_mem>>) {add = true}
        %dma_wait3A = arith.constant 240 : i32
        %dma_wait3A_257 = arith.constant 0 : i32
        %dma_wait3A_258 = tpu.memref_slice %arg6[%dma_wait3A, %dma_wait3A_257] : memref<400x128xf32, #tpu.memory_space<vmem>> -> memref<80x128xf32, #tpu.memory_space<vmem>>
        %dma_wait3A_259 = arith.constant 0 : i32
        %dma_wait3A_260 = tpu.memref_slice %arg8[%run_scoped3A_246, %dma_wait3A_259] : memref<5x80xi32, #tpu.memory_space<vmem>> -> memref<1x80xi32, #tpu.memory_space<vmem>>
        %dma_wait3A_261 = tpu.memref_squeeze %dma_wait3A_260 : memref<1x80xi32, #tpu.memory_space<vmem>> -> memref<80xi32, #tpu.memory_space<vmem>>
        %dma_wait3A_262 = arith.constant 0 : i32
        %dma_wait3A_263 = arith.constant 0 : i32
        %dma_wait3A_264 = tpu.memref_slice %arg9[%dma_wait3A_262, %dma_wait3A_263] : memref<1024x128xf32, #tpu.memory_space<vmem_shared>> -> memref<1024x128xf32, #tpu.memory_space<vmem_shared>>
        tpu.wait_indirect_dma semaphore(%run_scoped3A_248 : memref<!tpu.dma_semaphore, #tpu.memory_space<semaphore_mem>>) src(%dma_wait3A_258 : memref<80x128xf32, #tpu.memory_space<vmem>>) dst(%dma_wait3A_264 : memref<1024x128xf32, #tpu.memory_space<vmem_shared>>)
        tpu.yield
      }) : () -> ()
      %run_scoped3A_247 = arith.constant 4 : i32
      "tpu.region"() ({
        %run_scoped3A_248 = tpu.sem_alloc : memref<!tpu.dma_semaphore, #tpu.memory_space<semaphore_mem>>
        %dma_start3A = arith.constant 320 : i32
        %dma_start3A_249 = arith.constant 0 : i32
        %dma_start3A_250 = tpu.memref_slice %arg6[%dma_start3A, %dma_start3A_249] : memref<400x128xf32, #tpu.memory_space<vmem>> -> memref<80x128xf32, #tpu.memory_space<vmem>>
        %dma_start3A_251 = arith.constant 0 : i32
        %dma_start3A_252 = tpu.memref_slice %arg8[%run_scoped3A_247, %dma_start3A_251] : memref<5x80xi32, #tpu.memory_space<vmem>> -> memref<1x80xi32, #tpu.memory_space<vmem>>
        %dma_start3A_253 = tpu.memref_squeeze %dma_start3A_252 : memref<1x80xi32, #tpu.memory_space<vmem>> -> memref<80xi32, #tpu.memory_space<vmem>>
        %dma_start3A_254 = arith.constant 0 : i32
        %dma_start3A_255 = arith.constant 0 : i32
        %dma_start3A_256 = tpu.memref_slice %arg9[%dma_start3A_254, %dma_start3A_255] : memref<1024x128xf32, #tpu.memory_space<vmem_shared>> -> memref<1024x128xf32, #tpu.memory_space<vmem_shared>>
        tpu.enqueue_indirect_dma source(%dma_start3A_250 : memref<80x128xf32, #tpu.memory_space<vmem>>) target(%dma_start3A_256 : memref<1024x128xf32, #tpu.memory_space<vmem_shared>>) offsets(%dma_start3A_253 : memref<80xi32, #tpu.memory_space<vmem>>) semaphore(%run_scoped3A_248 : memref<!tpu.dma_semaphore, #tpu.memory_space<semaphore_mem>>) {add = true}
        %dma_wait3A = arith.constant 320 : i32
        %dma_wait3A_257 = arith.constant 0 : i32
        %dma_wait3A_258 = tpu.memref_slice %arg6[%dma_wait3A, %dma_wait3A_257] : memref<400x128xf32, #tpu.memory_space<vmem>> -> memref<80x128xf32, #tpu.memory_space<vmem>>
        %dma_wait3A_259 = arith.constant 0 : i32
        %dma_wait3A_260 = tpu.memref_slice %arg8[%run_scoped3A_247, %dma_wait3A_259] : memref<5x80xi32, #tpu.memory_space<vmem>> -> memref<1x80xi32, #tpu.memory_space<vmem>>
        %dma_wait3A_261 = tpu.memref_squeeze %dma_wait3A_260 : memref<1x80xi32, #tpu.memory_space<vmem>> -> memref<80xi32, #tpu.memory_space<vmem>>
        %dma_wait3A_262 = arith.constant 0 : i32
        %dma_wait3A_263 = arith.constant 0 : i32
        %dma_wait3A_264 = tpu.memref_slice %arg9[%dma_wait3A_262, %dma_wait3A_263] : memref<1024x128xf32, #tpu.memory_space<vmem_shared>> -> memref<1024x128xf32, #tpu.memory_space<vmem_shared>>
        tpu.wait_indirect_dma semaphore(%run_scoped3A_248 : memref<!tpu.dma_semaphore, #tpu.memory_space<semaphore_mem>>) src(%dma_wait3A_258 : memref<80x128xf32, #tpu.memory_space<vmem>>) dst(%dma_wait3A_264 : memref<1024x128xf32, #tpu.memory_space<vmem_shared>>)
        tpu.yield
      }) : () -> ()
    }
    %scan3A_11 = arith.constant 22 : i32
    %barrier3A_12 = arith.constant 0 : index
    tpu.barrier barrier_id(%barrier3A_12)
    %mul3A_13 = arith.constant 64 : i32
    %mul3A_14 = arith.muli %arg1, %mul3A_13 : i32
    %mul3A_15 = arith.constant 64 : i32
    %mul3A_16 = arith.muli %arg1, %mul3A_15 : i32
    "tpu.region"() ({
      %run_scoped3A = tpu.sem_alloc : memref<!tpu.dma_semaphore, #tpu.memory_space<semaphore_mem>>
      %dma_start3A = arith.constant 0 : i32
      %dma_start3A_17 = tpu.memref_slice %arg5[%arg0, %mul3A_16, %dma_start3A] : memref<2x1024x128xf32, #tpu.memory_space<hbm>> -> memref<1x64x128xf32, #tpu.memory_space<hbm>>
      %dma_start3A_18 = tpu.memref_squeeze %dma_start3A_17 : memref<1x64x128xf32, #tpu.memory_space<hbm>> -> memref<64x128xf32, #tpu.memory_space<hbm>>
      %dma_start3A_19 = arith.constant 0 : i32
      %dma_start3A_20 = tpu.memref_slice %arg9[%mul3A_14, %dma_start3A_19] : memref<1024x128xf32, #tpu.memory_space<vmem_shared>> -> memref<64x128xf32, #tpu.memory_space<vmem_shared>>
      tpu.enqueue_dma source(%dma_start3A_20 : memref<64x128xf32, #tpu.memory_space<vmem_shared>>) target(%dma_start3A_18 : memref<64x128xf32, #tpu.memory_space<hbm>>) target_semaphore(%run_scoped3A : memref<!tpu.dma_semaphore, #tpu.memory_space<semaphore_mem>>)
      %dma_wait3A = arith.constant 0 : i32
      %dma_wait3A_21 = tpu.memref_slice %arg5[%arg0, %mul3A_16, %dma_wait3A] : memref<2x1024x128xf32, #tpu.memory_space<hbm>> -> memref<1x64x128xf32, #tpu.memory_space<hbm>>
      %dma_wait3A_22 = tpu.memref_squeeze %dma_wait3A_21 : memref<1x64x128xf32, #tpu.memory_space<hbm>> -> memref<64x128xf32, #tpu.memory_space<hbm>>
      %dma_wait3A_23 = arith.constant 0 : i32
      %dma_wait3A_24 = tpu.memref_slice %arg9[%mul3A_14, %dma_wait3A_23] : memref<1024x128xf32, #tpu.memory_space<vmem_shared>> -> memref<64x128xf32, #tpu.memory_space<vmem_shared>>
      tpu.wait_dma2 semaphore(%run_scoped3A : memref<!tpu.dma_semaphore, #tpu.memory_space<semaphore_mem>>) src(%dma_wait3A_24 : memref<64x128xf32, #tpu.memory_space<vmem_shared>>) dst(%dma_wait3A_22 : memref<64x128xf32, #tpu.memory_space<hbm>>)
      tpu.yield
    }) : () -> ()
    return
  }
}

module attributes {stable_mosaic.version = 14 : i64} {
  func.func @_tc_psum(%arg0: i32, %arg1: memref<1x3200x128xf32, #tpu.memory_space<vmem>>, %arg2: memref<1x1x3200xi32, #tpu.memory_space<vmem>>, %arg3: memref<1x1x3200xi32, #tpu.memory_space<smem>>, %arg4: memref<1024x128xf32, #tpu.memory_space<vmem>>) attributes {dimension_semantics = [#tpu.dimension_semantics<arbitrary>], iteration_bounds = array<i64: 12>, scalar_prefetch = 0 : i64, scratch_operands = 0 : i64, tpu.core_type = #tpu.core_type<tc>, window_params = [{transform_indices = @transform_0, window_bounds = array<i64: 1, 3200, 128>}, {transform_indices = @transform_1, window_bounds = array<i64: 1, 1, 3200>}, {transform_indices = @transform_2, window_bounds = array<i64: 1, 1, 3200>}, {pipeline_mode = #tpu.pipeline_mode<synchronous>, transform_indices = @transform_3, window_bounds = array<i64: 1024, 128>}]} {
    %eq3A = arith.constant 0 : i32
    %eq3A_0 = arith.cmpi eq, %arg0, %eq3A : i32
    %convert_element_type3A = arith.extui %eq3A_0 : i1 to i32
    %cond3A = arith.constant 0 : i32
    %cond3A_1 = arith.cmpi ne, %convert_element_type3A, %cond3A : i32
    scf.if %cond3A_1 {
      %broadcast_in_dim3A = arith.constant 0.000000e+00 : f32
      %broadcast_in_dim3A_24 = vector.broadcast %broadcast_in_dim3A : f32 to vector<1024x128xf32>
      %swap3A = arith.constant 0 : index
      %swap3A_25 = arith.constant 0 : index
      %swap3A_26 = vector.load %arg4[%swap3A, %swap3A_25] : memref<1024x128xf32, #tpu.memory_space<vmem>>, vector<1024x128xf32>
      tpu.vector_store %arg4[%swap3A, %swap3A_25], %broadcast_in_dim3A_24 {strides = array<i32>} : memref<1024x128xf32, #tpu.memory_space<vmem>>, vector<1024x128xf32>,
    } else {
    }
    %get3A = arith.constant 0 : index
    %get3A_2 = arith.constant 0 : index
    %get3A_3 = arith.constant 0 : index
    %get3A_4 = vector.load %arg2[%get3A, %get3A_2, %get3A_3] : memref<1x1x3200xi32, #tpu.memory_space<vmem>>, vector<1x1x3200xi32>
    %get3A_5 = vector.shape_cast %get3A_4 : vector<1x1x3200xi32> to vector<3200xi32>
    %get3A_6 = arith.constant 0 : index
    %get3A_7 = arith.constant 0 : index
    %get3A_8 = arith.constant 0 : index
    %get3A_9 = memref.load %arg3[%get3A_6, %get3A_7, %get3A_8] : memref<1x1x3200xi32, #tpu.memory_space<smem>>
    %get3A_10 = arith.constant 0 : index
    %get3A_11 = arith.constant 0 : index
    %get3A_12 = arith.constant 3199 : index
    %get3A_13 = memref.load %arg3[%get3A_10, %get3A_11, %get3A_12] : memref<1x1x3200xi32, #tpu.memory_space<smem>>
    %and3A = arith.constant -8 : i32
    %and3A_14 = arith.andi %get3A_9, %and3A : i32
    %min3A = arith.constant 896 : i32
    %min3A_15 = arith.minsi %and3A_14, %min3A : i32
    %sub3A = arith.subi %get3A_13, %min3A_15 : i32
    %lt3A = arith.constant 128 : i32
    %lt3A_16 = arith.cmpi slt, %sub3A, %lt3A : i32
    %convert_element_type3A_17 = arith.extui %lt3A_16 : i1 to i32
    %cond3A_18 = arith.constant 0 : i32
    %cond3A_19 = arith.cmpi ne, %convert_element_type3A_17, %cond3A_18 : i32
    scf.if %cond3A_19 {
      %broadcast_in_dim3A = vector.shape_cast %get3A_5 : vector<3200xi32> to vector<3200x1xi32>
      %sub3A_24 = vector.broadcast %min3A_15 : i32 to vector<3200x1xi32>
      %sub3A_25 = arith.subi %broadcast_in_dim3A, %sub3A_24 : vector<3200x1xi32>
      %iota3A = tpu.iota {dimensions = array<i32: 1>} : vector<3200x128xi32>
      %eq3A_26 = vector.broadcast %sub3A_25 : vector<3200x1xi32> to vector<3200x128xi32>
      %eq3A_27 = arith.cmpi eq, %eq3A_26, %iota3A : vector<3200x128xi32>
      %convert_element_type3A_28 = arith.extui %eq3A_27 : vector<3200x128xi1> to vector<3200x128xi32>
      %convert_element_type3A_29 = arith.sitofp %convert_element_type3A_28 : vector<3200x128xi32> to vector<3200x128xf32>
      %get3A_30 = arith.constant 0 : index
      %get3A_31 = arith.constant 0 : index
      %get3A_32 = arith.constant 0 : index
      %get3A_33 = vector.load %arg1[%get3A_30, %get3A_31, %get3A_32] : memref<1x3200x128xf32, #tpu.memory_space<vmem>>, vector<1x3200x128xf32>
      %get3A_34 = vector.shape_cast %get3A_33 : vector<1x3200x128xf32> to vector<3200x128xf32>
      %dot_general3A = arith.constant dense<0.000000e+00> : vector<128x128xf32>
      %dot_general3A_35 = tpu.matmul %convert_element_type3A_29, %get3A_34, %dot_general3A {dimension_numbers = #tpu.dot_dimension_numbers<[0], [0], [1], [1], [0, 1, 1, 1], [], []>, transpose_lhs_hint = false} : vector<3200x128xf32>, vector<3200x128xf32>, vector<128x128xf32> -> vector<128x128xf32>
      %get3A_36 = arith.index_cast %min3A_15 : i32 to index
      %get3A_37 = arith.constant 0 : index
      %get3A_38 = vector.load %arg4[%get3A_36, %get3A_37] : memref<1024x128xf32, #tpu.memory_space<vmem>>, vector<128x128xf32>
      %add3A = arith.addf %get3A_38, %dot_general3A_35 : vector<128x128xf32>
      %swap3A = arith.index_cast %min3A_15 : i32 to index
      %swap3A_39 = arith.constant 0 : index
      %swap3A_40 = vector.load %arg4[%swap3A, %swap3A_39] : memref<1024x128xf32, #tpu.memory_space<vmem>>, vector<128x128xf32>
      tpu.vector_store %arg4[%swap3A, %swap3A_39], %add3A {strides = array<i32>} : memref<1024x128xf32, #tpu.memory_space<vmem>>, vector<128x128xf32>,
    } else {
    }
    %not3A = arith.constant true
    %not3A_20 = arith.xori %lt3A_16, %not3A : i1
    %convert_element_type3A_21 = arith.extui %not3A_20 : i1 to i32
    %cond3A_22 = arith.constant 0 : i32
    %cond3A_23 = arith.cmpi ne, %convert_element_type3A_21, %cond3A_22 : i32
    scf.if %cond3A_23 {
      %broadcast_in_dim3A = vector.shape_cast %get3A_5 : vector<3200xi32> to vector<3200x1xi32>
      %iota3A = tpu.iota {dimensions = array<i32: 1>} : vector<3200x1024xi32>
      %eq3A_24 = vector.broadcast %broadcast_in_dim3A : vector<3200x1xi32> to vector<3200x1024xi32>
      %eq3A_25 = arith.cmpi eq, %eq3A_24, %iota3A : vector<3200x1024xi32>
      %convert_element_type3A_26 = arith.extui %eq3A_25 : vector<3200x1024xi1> to vector<3200x1024xi32>
      %convert_element_type3A_27 = arith.sitofp %convert_element_type3A_26 : vector<3200x1024xi32> to vector<3200x1024xf32>
      %get3A_28 = arith.constant 0 : index
      %get3A_29 = arith.constant 0 : index
      %get3A_30 = arith.constant 0 : index
      %get3A_31 = vector.load %arg1[%get3A_28, %get3A_29, %get3A_30] : memref<1x3200x128xf32, #tpu.memory_space<vmem>>, vector<1x3200x128xf32>
      %get3A_32 = vector.shape_cast %get3A_31 : vector<1x3200x128xf32> to vector<3200x128xf32>
      %dot_general3A = arith.constant dense<0.000000e+00> : vector<1024x128xf32>
      %dot_general3A_33 = tpu.matmul %convert_element_type3A_27, %get3A_32, %dot_general3A {dimension_numbers = #tpu.dot_dimension_numbers<[0], [0], [1], [1], [0, 1, 1, 1], [], []>, transpose_lhs_hint = false} : vector<3200x1024xf32>, vector<3200x128xf32>, vector<1024x128xf32> -> vector<1024x128xf32>
      %get3A_34 = arith.constant 0 : index
      %get3A_35 = arith.constant 0 : index
      %get3A_36 = vector.load %arg4[%get3A_34, %get3A_35] : memref<1024x128xf32, #tpu.memory_space<vmem>>, vector<1024x128xf32>
      %add3A = arith.addf %get3A_36, %dot_general3A_33 : vector<1024x128xf32>
      %swap3A = arith.constant 0 : index
      %swap3A_37 = arith.constant 0 : index
      %swap3A_38 = vector.load %arg4[%swap3A, %swap3A_37] : memref<1024x128xf32, #tpu.memory_space<vmem>>, vector<1024x128xf32>
      tpu.vector_store %arg4[%swap3A, %swap3A_37], %add3A {strides = array<i32>} : memref<1024x128xf32, #tpu.memory_space<vmem>>, vector<1024x128xf32>,
    } else {
    }
    return
  }
  func.func @transform_0(%arg0: i32) -> (i32, i32, i32) {
    %add3A = arith.constant 88 : i32
    %add3A_0 = arith.addi %add3A, %arg0 : i32
    %c0_i32 = arith.constant 0 : i32
    %c0_i32_1 = arith.constant 0 : i32
    %c0_i32_2 = arith.constant 0 : i32
    return %add3A_0, %c0_i32, %c0_i32_1 : i32, i32, i32
  }
  func.func @transform_1(%arg0: i32) -> (i32, i32, i32) {
    %add3A = arith.constant 88 : i32
    %add3A_0 = arith.addi %add3A, %arg0 : i32
    %c0_i32 = arith.constant 0 : i32
    %c0_i32_1 = arith.constant 0 : i32
    %c0_i32_2 = arith.constant 0 : i32
    return %add3A_0, %c0_i32, %c0_i32_1 : i32, i32, i32
  }
  func.func @transform_2(%arg0: i32) -> (i32, i32, i32) {
    %add3A = arith.constant 88 : i32
    %add3A_0 = arith.addi %add3A, %arg0 : i32
    %c0_i32 = arith.constant 0 : i32
    %c0_i32_1 = arith.constant 0 : i32
    %c0_i32_2 = arith.constant 0 : i32
    return %add3A_0, %c0_i32, %c0_i32_1 : i32, i32, i32
  }
  func.func @transform_3(%arg0: i32) -> (i32, i32) {
    %c0_i32 = arith.constant 0 : i32
    %c0_i32_0 = arith.constant 0 : i32
    %c0_i32_1 = arith.constant 0 : i32
    return %c0_i32, %c0_i32_0 : i32, i32
  }
}

module attributes {stable_mosaic.version = 14 : i64} {
  func.func @_tc_hist(%arg0: i32, %arg1: memref<1x1x3200xi32, #tpu.memory_space<vmem>>, %arg2: memref<1x1x3200xi32, #tpu.memory_space<smem>>, %arg3: memref<1024x8xf32, #tpu.memory_space<vmem>>) attributes {dimension_semantics = [#tpu.dimension_semantics<arbitrary>], iteration_bounds = array<i64: 100>, scalar_prefetch = 0 : i64, scratch_operands = 0 : i64, tpu.core_type = #tpu.core_type<tc>, window_params = [{transform_indices = @transform_0, window_bounds = array<i64: 1, 1, 3200>}, {transform_indices = @transform_1, window_bounds = array<i64: 1, 1, 3200>}, {pipeline_mode = #tpu.pipeline_mode<synchronous>, transform_indices = @transform_2, window_bounds = array<i64: 1024, 8>}]} {
    %eq3A = arith.constant 0 : i32
    %eq3A_0 = arith.cmpi eq, %arg0, %eq3A : i32
    %convert_element_type3A = arith.extui %eq3A_0 : i1 to i32
    %cond3A = arith.constant 0 : i32
    %cond3A_1 = arith.cmpi ne, %convert_element_type3A, %cond3A : i32
    scf.if %cond3A_1 {
      %broadcast_in_dim3A = arith.constant 0.000000e+00 : f32
      %broadcast_in_dim3A_24 = vector.broadcast %broadcast_in_dim3A : f32 to vector<1024x8xf32>
      %swap3A = arith.constant 0 : index
      %swap3A_25 = arith.constant 0 : index
      %swap3A_26 = vector.load %arg3[%swap3A, %swap3A_25] : memref<1024x8xf32, #tpu.memory_space<vmem>>, vector<1024x8xf32>
      tpu.vector_store %arg3[%swap3A, %swap3A_25], %broadcast_in_dim3A_24 {strides = array<i32>} : memref<1024x8xf32, #tpu.memory_space<vmem>>, vector<1024x8xf32>,
    } else {
    }
    %get3A = arith.constant 0 : index
    %get3A_2 = arith.constant 0 : index
    %get3A_3 = arith.constant 0 : index
    %get3A_4 = vector.load %arg1[%get3A, %get3A_2, %get3A_3] : memref<1x1x3200xi32, #tpu.memory_space<vmem>>, vector<1x1x3200xi32>
    %get3A_5 = vector.shape_cast %get3A_4 : vector<1x1x3200xi32> to vector<3200xi32>
    %get3A_6 = arith.constant 0 : index
    %get3A_7 = arith.constant 0 : index
    %get3A_8 = arith.constant 0 : index
    %get3A_9 = memref.load %arg2[%get3A_6, %get3A_7, %get3A_8] : memref<1x1x3200xi32, #tpu.memory_space<smem>>
    %get3A_10 = arith.constant 0 : index
    %get3A_11 = arith.constant 0 : index
    %get3A_12 = arith.constant 3199 : index
    %get3A_13 = memref.load %arg2[%get3A_10, %get3A_11, %get3A_12] : memref<1x1x3200xi32, #tpu.memory_space<smem>>
    %and3A = arith.constant -8 : i32
    %and3A_14 = arith.andi %get3A_9, %and3A : i32
    %min3A = arith.constant 896 : i32
    %min3A_15 = arith.minsi %and3A_14, %min3A : i32
    %sub3A = arith.subi %get3A_13, %min3A_15 : i32
    %lt3A = arith.constant 128 : i32
    %lt3A_16 = arith.cmpi slt, %sub3A, %lt3A : i32
    %convert_element_type3A_17 = arith.extui %lt3A_16 : i1 to i32
    %cond3A_18 = arith.constant 0 : i32
    %cond3A_19 = arith.cmpi ne, %convert_element_type3A_17, %cond3A_18 : i32
    scf.if %cond3A_19 {
      %broadcast_in_dim3A = vector.shape_cast %get3A_5 : vector<3200xi32> to vector<3200x1xi32>
      %sub3A_24 = vector.broadcast %min3A_15 : i32 to vector<3200x1xi32>
      %sub3A_25 = arith.subi %broadcast_in_dim3A, %sub3A_24 : vector<3200x1xi32>
      %iota3A = tpu.iota {dimensions = array<i32: 1>} : vector<3200x128xi32>
      %eq3A_26 = vector.broadcast %sub3A_25 : vector<3200x1xi32> to vector<3200x128xi32>
      %eq3A_27 = arith.cmpi eq, %eq3A_26, %iota3A : vector<3200x128xi32>
      %convert_element_type3A_28 = arith.extui %eq3A_27 : vector<3200x128xi1> to vector<3200x128xi32>
      %convert_element_type3A_29 = arith.sitofp %convert_element_type3A_28 : vector<3200x128xi32> to vector<3200x128xf32>
      %reduce_sum3A = arith.constant dense<0.000000e+00> : vector<128xf32>
      %reduce_sum3A_30 = vector.multi_reduction <add>, %convert_element_type3A_29, %reduce_sum3A [0] : vector<3200x128xf32> to vector<128xf32>
      %get3A_31 = arith.index_cast %min3A_15 : i32 to index
      %get3A_32 = arith.constant 0 : index
      %get3A_33 = vector.load %arg3[%get3A_31, %get3A_32] : memref<1024x8xf32, #tpu.memory_space<vmem>>, vector<128x8xf32>
      %broadcast_in_dim3A_34 = vector.shape_cast %reduce_sum3A_30 : vector<128xf32> to vector<128x1xf32>
      %add3A = vector.broadcast %broadcast_in_dim3A_34 : vector<128x1xf32> to vector<128x8xf32>
      %add3A_35 = arith.addf %get3A_33, %add3A : vector<128x8xf32>
      %swap3A = arith.index_cast %min3A_15 : i32 to index
      %swap3A_36 = arith.constant 0 : index
      %swap3A_37 = vector.load %arg3[%swap3A, %swap3A_36] : memref<1024x8xf32, #tpu.memory_space<vmem>>, vector<128x8xf32>
      tpu.vector_store %arg3[%swap3A, %swap3A_36], %add3A_35 {strides = array<i32>} : memref<1024x8xf32, #tpu.memory_space<vmem>>, vector<128x8xf32>,
    } else {
    }
    %not3A = arith.constant true
    %not3A_20 = arith.xori %lt3A_16, %not3A : i1
    %convert_element_type3A_21 = arith.extui %not3A_20 : i1 to i32
    %cond3A_22 = arith.constant 0 : i32
    %cond3A_23 = arith.cmpi ne, %convert_element_type3A_21, %cond3A_22 : i32
    scf.if %cond3A_23 {
      %broadcast_in_dim3A = vector.shape_cast %get3A_5 : vector<3200xi32> to vector<3200x1xi32>
      %iota3A = tpu.iota {dimensions = array<i32: 1>} : vector<3200x1024xi32>
      %eq3A_24 = vector.broadcast %broadcast_in_dim3A : vector<3200x1xi32> to vector<3200x1024xi32>
      %eq3A_25 = arith.cmpi eq, %eq3A_24, %iota3A : vector<3200x1024xi32>
      %convert_element_type3A_26 = arith.extui %eq3A_25 : vector<3200x1024xi1> to vector<3200x1024xi32>
      %convert_element_type3A_27 = arith.sitofp %convert_element_type3A_26 : vector<3200x1024xi32> to vector<3200x1024xf32>
      %reduce_sum3A = arith.constant dense<0.000000e+00> : vector<1024xf32>
      %reduce_sum3A_28 = vector.multi_reduction <add>, %convert_element_type3A_27, %reduce_sum3A [0] : vector<3200x1024xf32> to vector<1024xf32>
      %get3A_29 = arith.constant 0 : index
      %get3A_30 = arith.constant 0 : index
      %get3A_31 = vector.load %arg3[%get3A_29, %get3A_30] : memref<1024x8xf32, #tpu.memory_space<vmem>>, vector<1024x8xf32>
      %broadcast_in_dim3A_32 = vector.shape_cast %reduce_sum3A_28 : vector<1024xf32> to vector<1024x1xf32>
      %add3A = vector.broadcast %broadcast_in_dim3A_32 : vector<1024x1xf32> to vector<1024x8xf32>
      %add3A_33 = arith.addf %get3A_31, %add3A : vector<1024x8xf32>
      %swap3A = arith.constant 0 : index
      %swap3A_34 = arith.constant 0 : index
      %swap3A_35 = vector.load %arg3[%swap3A, %swap3A_34] : memref<1024x8xf32, #tpu.memory_space<vmem>>, vector<1024x8xf32>
      tpu.vector_store %arg3[%swap3A, %swap3A_34], %add3A_33 {strides = array<i32>} : memref<1024x8xf32, #tpu.memory_space<vmem>>, vector<1024x8xf32>,
    } else {
    }
    return
  }
  func.func @transform_0(%arg0: i32) -> (i32, i32, i32) {
    %c0_i32 = arith.constant 0 : i32
    %c0_i32_0 = arith.constant 0 : i32
    %c0_i32_1 = arith.constant 0 : i32
    return %arg0, %c0_i32, %c0_i32_0 : i32, i32, i32
  }
  func.func @transform_1(%arg0: i32) -> (i32, i32, i32) {
    %c0_i32 = arith.constant 0 : i32
    %c0_i32_0 = arith.constant 0 : i32
    %c0_i32_1 = arith.constant 0 : i32
    return %arg0, %c0_i32, %c0_i32_0 : i32, i32, i32
  }
  func.func @transform_2(%arg0: i32) -> (i32, i32) {
    %c0_i32 = arith.constant 0 : i32
    %c0_i32_0 = arith.constant 0 : i32
    %c0_i32_1 = arith.constant 0 : i32
    return %c0_i32, %c0_i32_0 : i32, i32
  }
}

module attributes {stable_mosaic.version = 14 : i64} {
  func.func @_tc_combine(%arg0: memref<2x1024x128xf32, #tpu.memory_space<vmem>>, %arg1: memref<1024x128xf32, #tpu.memory_space<vmem>>, %arg2: memref<1024x8xf32, #tpu.memory_space<vmem>>, %arg3: memref<1024x128xf32, #tpu.memory_space<vmem>>, %arg4: memref<1x1xf32, #tpu.memory_space<smem>>) attributes {dimension_semantics = [], scalar_prefetch = 0 : i64, scratch_operands = 0 : i64, tpu.core_type = #tpu.core_type<tc>} {
    %get3A = arith.constant 0 : index
    %get3A_0 = arith.constant 0 : index
    %get3A_1 = arith.constant 0 : index
    %get3A_2 = vector.load %arg0[%get3A, %get3A_0, %get3A_1] : memref<2x1024x128xf32, #tpu.memory_space<vmem>>, vector<1x1024x128xf32>
    %get3A_3 = vector.shape_cast %get3A_2 : vector<1x1024x128xf32> to vector<1024x128xf32>
    %get3A_4 = arith.constant 1 : index
    %get3A_5 = arith.constant 0 : index
    %get3A_6 = arith.constant 0 : index
    %get3A_7 = vector.load %arg0[%get3A_4, %get3A_5, %get3A_6] : memref<2x1024x128xf32, #tpu.memory_space<vmem>>, vector<1x1024x128xf32>
    %get3A_8 = vector.shape_cast %get3A_7 : vector<1x1024x128xf32> to vector<1024x128xf32>
    %add3A = arith.addf %get3A_3, %get3A_8 : vector<1024x128xf32>
    %get3A_9 = arith.constant 0 : index
    %get3A_10 = arith.constant 0 : index
    %get3A_11 = vector.load %arg1[%get3A_9, %get3A_10] : memref<1024x128xf32, #tpu.memory_space<vmem>>, vector<1024x128xf32>
    %add3A_12 = arith.addf %add3A, %get3A_11 : vector<1024x128xf32>
    %get3A_13 = arith.constant 0 : index
    %get3A_14 = arith.constant 0 : index
    %get3A_15 = vector.load %arg2[%get3A_13, %get3A_14] : memref<1024x8xf32, #tpu.memory_space<vmem>>, vector<1024x1xf32>
    %get3A_16 = vector.shape_cast %get3A_15 : vector<1024x1xf32> to vector<1024xf32>
    %max3A = arith.constant 1.000000e+00 : f32
    %max3A_17 = vector.broadcast %max3A : f32 to vector<1024xf32>
    %max3A_18 = arith.maximumf %get3A_16, %max3A_17 : vector<1024xf32>
    %broadcast_in_dim3A = vector.shape_cast %max3A_18 : vector<1024xf32> to vector<1024x1xf32>
    %div3A = vector.broadcast %broadcast_in_dim3A : vector<1024x1xf32> to vector<1024x128xf32>
    %div3A_19 = arith.divf %add3A_12, %div3A : vector<1024x128xf32>
    %reduce_sum3A = arith.constant dense<0.000000e+00> : vector<128xf32>
    %reduce_sum3A_20 = vector.multi_reduction <add>, %add3A_12, %reduce_sum3A [0] : vector<1024x128xf32> to vector<128xf32>
    %broadcast_in_dim3A_21 = vector.shape_cast %reduce_sum3A_20 : vector<128xf32> to vector<1x128xf32>
    %div3A_22 = arith.constant 3.200000e+05 : f32
    %div3A_23 = vector.broadcast %div3A_22 : f32 to vector<1x128xf32>
    %div3A_24 = arith.divf %broadcast_in_dim3A_21, %div3A_23 : vector<1x128xf32>
    %sub3A = vector.broadcast %div3A_24 : vector<1x128xf32> to vector<1024x128xf32>
    %sub3A_25 = arith.subf %div3A_19, %sub3A : vector<1024x128xf32>
    %mul3A = arith.mulf %sub3A_25, %sub3A_25 : vector<1024x128xf32>
    %reduce_sum3A_26 = arith.constant dense<0.000000e+00> : vector<1024xf32>
    %reduce_sum3A_27 = vector.multi_reduction <add>, %mul3A, %reduce_sum3A_26 [1] : vector<1024x128xf32> to vector<1024xf32>
    %sqrt3A = math.sqrt %reduce_sum3A_27 : vector<1024xf32>
    %mul3A_28 = arith.mulf %get3A_16, %sqrt3A : vector<1024xf32>
    %reduce_sum3A_29 = vector.shape_cast %mul3A_28 : vector<1024xf32> to vector<1x1024xf32>
    %reduce_sum3A_30 = arith.constant dense<0.000000e+00> : vector<1xf32>
    %reduce_sum3A_31 = vector.multi_reduction <add>, %reduce_sum3A_29, %reduce_sum3A_30 [1] : vector<1x1024xf32> to vector<1xf32>
    %reduce_sum3A_32 = vector.shape_cast %reduce_sum3A_31 : vector<1xf32> to vector<1x1xf32>
    %reduce_sum3A_33 = vector.extract %reduce_sum3A_32[0, 0] : f32 from vector<1x1xf32>
    %div3A_34 = arith.constant 1.023000e+03 : f32
    %div3A_35 = arith.divf %reduce_sum3A_33, %div3A_34 : f32
    %swap3A = arith.constant 0 : index
    %swap3A_36 = arith.constant 0 : index
    %swap3A_37 = memref.load %arg4[%swap3A, %swap3A_36] : memref<1x1xf32, #tpu.memory_space<smem>>
    memref.store %div3A_35, %arg4[%swap3A, %swap3A_36] : memref<1x1xf32, #tpu.memory_space<smem>>
    %swap3A_38 = arith.constant 0 : index
    %swap3A_39 = arith.constant 0 : index
    %swap3A_40 = vector.load %arg3[%swap3A_38, %swap3A_39] : memref<1024x128xf32, #tpu.memory_space<vmem>>, vector<1024x128xf32>
    tpu.vector_store %arg3[%swap3A_38, %swap3A_39], %div3A_19 {strides = array<i32>} : memref<1024x128xf32, #tpu.memory_space<vmem>>, vector<1024x128xf32>,
    return
  }
}

module attributes {stable_mosaic.version = 14 : i64} {
  func.func @_tc_pass2(%arg0: i32, %arg1: memref<3200x128xf32, #tpu.memory_space<vmem>>, %arg2: memref<1x1x3200xi32, #tpu.memory_space<vmem>>, %arg3: memref<1x1x3200xi32, #tpu.memory_space<smem>>, %arg4: memref<1024x128xf32, #tpu.memory_space<vmem>>, %arg5: memref<1x1xf32, #tpu.memory_space<smem>>, %arg6: memref<1x1xf32, #tpu.memory_space<smem>>, %arg7: memref<1x1xf32, #tpu.memory_space<smem>>, %arg8: memref<1x1xf32, #tpu.memory_space<smem>>) attributes {dimension_semantics = [#tpu.dimension_semantics<arbitrary>], iteration_bounds = array<i64: 100>, scalar_prefetch = 0 : i64, scratch_operands = 1 : i64, tpu.core_type = #tpu.core_type<tc>, window_params = [{transform_indices = @transform_0, window_bounds = array<i64: 3200, 128>}, {transform_indices = @transform_1, window_bounds = array<i64: 1, 1, 3200>}, {transform_indices = @transform_2, window_bounds = array<i64: 1, 1, 3200>}, {pipeline_mode = #tpu.pipeline_mode<synchronous>, transform_indices = @transform_3, window_bounds = array<i64: 1024, 128>}, {transform_indices = @transform_4, window_bounds = array<i64: 1, 1>}, {transform_indices = @transform_5, window_bounds = array<i64: 1, 1>}, {transform_indices = @transform_6, window_bounds = array<i64: 1, 1>}]} {
    %eq3A = arith.constant 0 : i32
    %eq3A_0 = arith.cmpi eq, %arg0, %eq3A : i32
    %convert_element_type3A = arith.extui %eq3A_0 : i1 to i32
    %cond3A = arith.constant 0 : i32
    %cond3A_1 = arith.cmpi ne, %convert_element_type3A, %cond3A : i32
    scf.if %cond3A_1 {
      %swap3A = arith.constant 0.000000e+00 : f32
      %swap3A_29 = arith.constant 0 : index
      %swap3A_30 = arith.constant 0 : index
      %swap3A_31 = memref.load %arg8[%swap3A_29, %swap3A_30] : memref<1x1xf32, #tpu.memory_space<smem>>
      memref.store %swap3A, %arg8[%swap3A_29, %swap3A_30] : memref<1x1xf32, #tpu.memory_space<smem>>
    } else {
    }
    %get3A = arith.constant 0 : index
    %get3A_2 = arith.constant 0 : index
    %get3A_3 = arith.constant 0 : index
    %get3A_4 = vector.load %arg2[%get3A, %get3A_2, %get3A_3] : memref<1x1x3200xi32, #tpu.memory_space<vmem>>, vector<1x1x3200xi32>
    %get3A_5 = vector.shape_cast %get3A_4 : vector<1x1x3200xi32> to vector<3200xi32>
    %get3A_6 = arith.constant 0 : index
    %get3A_7 = arith.constant 0 : index
    %get3A_8 = arith.constant 0 : index
    %get3A_9 = memref.load %arg3[%get3A_6, %get3A_7, %get3A_8] : memref<1x1x3200xi32, #tpu.memory_space<smem>>
    %get3A_10 = arith.constant 0 : index
    %get3A_11 = arith.constant 0 : index
    %get3A_12 = arith.constant 3199 : index
    %get3A_13 = memref.load %arg3[%get3A_10, %get3A_11, %get3A_12] : memref<1x1x3200xi32, #tpu.memory_space<smem>>
    %and3A = arith.constant -8 : i32
    %and3A_14 = arith.andi %get3A_9, %and3A : i32
    %min3A = arith.constant 896 : i32
    %min3A_15 = arith.minsi %and3A_14, %min3A : i32
    %sub3A = arith.subi %get3A_13, %min3A_15 : i32
    %lt3A = arith.constant 128 : i32
    %lt3A_16 = arith.cmpi slt, %sub3A, %lt3A : i32
    %convert_element_type3A_17 = arith.extui %lt3A_16 : i1 to i32
    %cond3A_18 = arith.constant 0 : i32
    %cond3A_19 = arith.cmpi ne, %convert_element_type3A_17, %cond3A_18 : i32
    scf.if %cond3A_19 {
      %broadcast_in_dim3A = vector.shape_cast %get3A_5 : vector<3200xi32> to vector<3200x1xi32>
      %sub3A_29 = vector.broadcast %min3A_15 : i32 to vector<3200x1xi32>
      %sub3A_30 = arith.subi %broadcast_in_dim3A, %sub3A_29 : vector<3200x1xi32>
      %iota3A = tpu.iota {dimensions = array<i32: 1>} : vector<3200x128xi32>
      %eq3A_31 = vector.broadcast %sub3A_30 : vector<3200x1xi32> to vector<3200x128xi32>
      %eq3A_32 = arith.cmpi eq, %eq3A_31, %iota3A : vector<3200x128xi32>
      %convert_element_type3A_33 = arith.extui %eq3A_32 : vector<3200x128xi1> to vector<3200x128xi32>
      %convert_element_type3A_34 = arith.sitofp %convert_element_type3A_33 : vector<3200x128xi32> to vector<3200x128xf32>
      %get3A_35 = arith.index_cast %min3A_15 : i32 to index
      %get3A_36 = arith.constant 0 : index
      %get3A_37 = vector.load %arg4[%get3A_35, %get3A_36] : memref<1024x128xf32, #tpu.memory_space<vmem>>, vector<128x128xf32>
      %dot_general3A = arith.constant dense<0.000000e+00> : vector<3200x128xf32>
      %dot_general3A_38 = tpu.matmul %convert_element_type3A_34, %get3A_37, %dot_general3A {dimension_numbers = #tpu.dot_dimension_numbers<[1], [0], [0], [1], [0, 0, 1, 1], [], []>, transpose_lhs_hint = false} : vector<3200x128xf32>, vector<128x128xf32>, vector<3200x128xf32> -> vector<3200x128xf32>
      %get3A_39 = arith.constant 0 : index
      %get3A_40 = arith.constant 0 : index
      %get3A_41 = vector.load %arg1[%get3A_39, %get3A_40] : memref<3200x128xf32, #tpu.memory_space<vmem>>, vector<3200x128xf32>
      %sub3A_42 = arith.subf %get3A_41, %dot_general3A_38 : vector<3200x128xf32>
      %mul3A = arith.mulf %sub3A_42, %sub3A_42 : vector<3200x128xf32>
      %broadcast_in_dim3A_43 = arith.constant 1.000000e+00 : f32
      %broadcast_in_dim3A_44 = vector.broadcast %broadcast_in_dim3A_43 : f32 to vector<128x8xf32>
      %dot_general3A_45 = arith.constant dense<0.000000e+00> : vector<3200x8xf32>
      %dot_general3A_46 = tpu.matmul %mul3A, %broadcast_in_dim3A_44, %dot_general3A_45 {dimension_numbers = #tpu.dot_dimension_numbers<[1], [0], [0], [1], [0, 0, 1, 1], [], []>, transpose_lhs_hint = false} : vector<3200x128xf32>, vector<128x8xf32>, vector<3200x8xf32> -> vector<3200x8xf32>
      %get3A_47 = arith.constant 0 : index
      %get3A_48 = arith.constant 0 : index
      %get3A_49 = memref.load %arg8[%get3A_47, %get3A_48] : memref<1x1xf32, #tpu.memory_space<smem>>
      %slice3A = vector.extract_strided_slice %dot_general3A_46 {offsets = [0, 0], sizes = [3200, 1], strides = [1, 1]} : vector<3200x8xf32> to vector<3200x1xf32>
      %sqrt3A = math.sqrt %slice3A : vector<3200x1xf32>
      %reduce_sum3A = vector.shape_cast %sqrt3A : vector<3200x1xf32> to vector<1x3200x1xf32>
      %reduce_sum3A_50 = arith.constant dense<0.000000e+00> : vector<1xf32>
      %reduce_sum3A_51 = vector.multi_reduction <add>, %reduce_sum3A, %reduce_sum3A_50 [1, 2] : vector<1x3200x1xf32> to vector<1xf32>
      %reduce_sum3A_52 = vector.shape_cast %reduce_sum3A_51 : vector<1xf32> to vector<1x1x1xf32>
      %reduce_sum3A_53 = vector.extract %reduce_sum3A_52[0, 0, 0] : f32 from vector<1x1x1xf32>
      %add3A = arith.addf %get3A_49, %reduce_sum3A_53 : f32
      %swap3A = arith.constant 0 : index
      %swap3A_54 = arith.constant 0 : index
      %swap3A_55 = memref.load %arg8[%swap3A, %swap3A_54] : memref<1x1xf32, #tpu.memory_space<smem>>
      memref.store %add3A, %arg8[%swap3A, %swap3A_54] : memref<1x1xf32, #tpu.memory_space<smem>>
    } else {
    }
    %not3A = arith.constant true
    %not3A_20 = arith.xori %lt3A_16, %not3A : i1
    %convert_element_type3A_21 = arith.extui %not3A_20 : i1 to i32
    %cond3A_22 = arith.constant 0 : i32
    %cond3A_23 = arith.cmpi ne, %convert_element_type3A_21, %cond3A_22 : i32
    scf.if %cond3A_23 {
      %broadcast_in_dim3A = vector.shape_cast %get3A_5 : vector<3200xi32> to vector<3200x1xi32>
      %iota3A = tpu.iota {dimensions = array<i32: 1>} : vector<3200x1024xi32>
      %eq3A_29 = vector.broadcast %broadcast_in_dim3A : vector<3200x1xi32> to vector<3200x1024xi32>
      %eq3A_30 = arith.cmpi eq, %eq3A_29, %iota3A : vector<3200x1024xi32>
      %convert_element_type3A_31 = arith.extui %eq3A_30 : vector<3200x1024xi1> to vector<3200x1024xi32>
      %convert_element_type3A_32 = arith.sitofp %convert_element_type3A_31 : vector<3200x1024xi32> to vector<3200x1024xf32>
      %get3A_33 = arith.constant 0 : index
      %get3A_34 = arith.constant 0 : index
      %get3A_35 = vector.load %arg4[%get3A_33, %get3A_34] : memref<1024x128xf32, #tpu.memory_space<vmem>>, vector<1024x128xf32>
      %dot_general3A = arith.constant dense<0.000000e+00> : vector<3200x128xf32>
      %dot_general3A_36 = tpu.matmul %convert_element_type3A_32, %get3A_35, %dot_general3A {dimension_numbers = #tpu.dot_dimension_numbers<[1], [0], [0], [1], [0, 0, 1, 1], [], []>, transpose_lhs_hint = false} : vector<3200x1024xf32>, vector<1024x128xf32>, vector<3200x128xf32> -> vector<3200x128xf32>
      %get3A_37 = arith.constant 0 : index
      %get3A_38 = arith.constant 0 : index
      %get3A_39 = vector.load %arg1[%get3A_37, %get3A_38] : memref<3200x128xf32, #tpu.memory_space<vmem>>, vector<3200x128xf32>
      %sub3A_40 = arith.subf %get3A_39, %dot_general3A_36 : vector<3200x128xf32>
      %mul3A = arith.mulf %sub3A_40, %sub3A_40 : vector<3200x128xf32>
      %broadcast_in_dim3A_41 = arith.constant 1.000000e+00 : f32
      %broadcast_in_dim3A_42 = vector.broadcast %broadcast_in_dim3A_41 : f32 to vector<128x8xf32>
      %dot_general3A_43 = arith.constant dense<0.000000e+00> : vector<3200x8xf32>
      %dot_general3A_44 = tpu.matmul %mul3A, %broadcast_in_dim3A_42, %dot_general3A_43 {dimension_numbers = #tpu.dot_dimension_numbers<[1], [0], [0], [1], [0, 0, 1, 1], [], []>, transpose_lhs_hint = false} : vector<3200x128xf32>, vector<128x8xf32>, vector<3200x8xf32> -> vector<3200x8xf32>
      %get3A_45 = arith.constant 0 : index
      %get3A_46 = arith.constant 0 : index
      %get3A_47 = memref.load %arg8[%get3A_45, %get3A_46] : memref<1x1xf32, #tpu.memory_space<smem>>
      %slice3A = vector.extract_strided_slice %dot_general3A_44 {offsets = [0, 0], sizes = [3200, 1], strides = [1, 1]} : vector<3200x8xf32> to vector<3200x1xf32>
      %sqrt3A = math.sqrt %slice3A : vector<3200x1xf32>
      %reduce_sum3A = vector.shape_cast %sqrt3A : vector<3200x1xf32> to vector<1x3200x1xf32>
      %reduce_sum3A_48 = arith.constant dense<0.000000e+00> : vector<1xf32>
      %reduce_sum3A_49 = vector.multi_reduction <add>, %reduce_sum3A, %reduce_sum3A_48 [1, 2] : vector<1x3200x1xf32> to vector<1xf32>
      %reduce_sum3A_50 = vector.shape_cast %reduce_sum3A_49 : vector<1xf32> to vector<1x1x1xf32>
      %reduce_sum3A_51 = vector.extract %reduce_sum3A_50[0, 0, 0] : f32 from vector<1x1x1xf32>
      %add3A = arith.addf %get3A_47, %reduce_sum3A_51 : f32
      %swap3A = arith.constant 0 : index
      %swap3A_52 = arith.constant 0 : index
      %swap3A_53 = memref.load %arg8[%swap3A, %swap3A_52] : memref<1x1xf32, #tpu.memory_space<smem>>
      memref.store %add3A, %arg8[%swap3A, %swap3A_52] : memref<1x1xf32, #tpu.memory_space<smem>>
    } else {
    }
    %eq3A_24 = arith.constant 99 : i32
    %eq3A_25 = arith.cmpi eq, %arg0, %eq3A_24 : i32
    %convert_element_type3A_26 = arith.extui %eq3A_25 : i1 to i32
    %cond3A_27 = arith.constant 0 : i32
    %cond3A_28 = arith.cmpi ne, %convert_element_type3A_26, %cond3A_27 : i32
    scf.if %cond3A_28 {
      %get3A_29 = arith.constant 0 : index
      %get3A_30 = arith.constant 0 : index
      %get3A_31 = memref.load %arg8[%get3A_29, %get3A_30] : memref<1x1xf32, #tpu.memory_space<smem>>
      %div3A = arith.constant 3.189760e+05 : f32
      %div3A_32 = arith.divf %get3A_31, %div3A : f32
      %get3A_33 = arith.constant 0 : index
      %get3A_34 = arith.constant 0 : index
      %get3A_35 = memref.load %arg5[%get3A_33, %get3A_34] : memref<1x1xf32, #tpu.memory_space<smem>>
      %sub3A_36 = arith.subf %div3A_32, %get3A_35 : f32
      %swap3A = arith.constant 0 : index
      %swap3A_37 = arith.constant 0 : index
      %swap3A_38 = memref.load %arg6[%swap3A, %swap3A_37] : memref<1x1xf32, #tpu.memory_space<smem>>
      memref.store %sub3A_36, %arg6[%swap3A, %swap3A_37] : memref<1x1xf32, #tpu.memory_space<smem>>
      %swap3A_39 = arith.constant 0 : index
      %swap3A_40 = arith.constant 0 : index
      %swap3A_41 = memref.load %arg7[%swap3A_39, %swap3A_40] : memref<1x1xf32, #tpu.memory_space<smem>>
      memref.store %sub3A_36, %arg7[%swap3A_39, %swap3A_40] : memref<1x1xf32, #tpu.memory_space<smem>>
    } else {
    }
    return
  }
  func.func @transform_0(%arg0: i32) -> (i32, i32) {
    %c0_i32 = arith.constant 0 : i32
    %c0_i32_0 = arith.constant 0 : i32
    return %arg0, %c0_i32 : i32, i32
  }
  func.func @transform_1(%arg0: i32) -> (i32, i32, i32) {
    %c0_i32 = arith.constant 0 : i32
    %c0_i32_0 = arith.constant 0 : i32
    %c0_i32_1 = arith.constant 0 : i32
    return %arg0, %c0_i32, %c0_i32_0 : i32, i32, i32
  }
  func.func @transform_2(%arg0: i32) -> (i32, i32, i32) {
    %c0_i32 = arith.constant 0 : i32
    %c0_i32_0 = arith.constant 0 : i32
    %c0_i32_1 = arith.constant 0 : i32
    return %arg0, %c0_i32, %c0_i32_0 : i32, i32, i32
  }
  func.func @transform_3(%arg0: i32) -> (i32, i32) {
    %c0_i32 = arith.constant 0 : i32
    %c0_i32_0 = arith.constant 0 : i32
    %c0_i32_1 = arith.constant 0 : i32
    return %c0_i32, %c0_i32_0 : i32, i32
  }
  func.func @transform_4(%arg0: i32) -> (i32, i32) {
    %c0_i32 = arith.constant 0 : i32
    %c0_i32_0 = arith.constant 0 : i32
    %c0_i32_1 = arith.constant 0 : i32
    return %c0_i32, %c0_i32_0 : i32, i32
  }
  func.func @transform_5(%arg0: i32) -> (i32, i32) {
    %c0_i32 = arith.constant 0 : i32
    %c0_i32_0 = arith.constant 0 : i32
    %c0_i32_1 = arith.constant 0 : i32
    return %c0_i32, %c0_i32_0 : i32, i32
  }
  func.func @transform_6(%arg0: i32) -> (i32, i32) {
    %c0_i32 = arith.constant 0 : i32
    %c0_i32_0 = arith.constant 0 : i32
    %c0_i32_1 = arith.constant 0 : i32
    return %c0_i32, %c0_i32_0 : i32, i32
  }
}

</mosaic_0001>

<sc_bundles>
// kernel: kernel.7.cloned.1.call-start
scs
__scs_entry_jumppad:
0x0: {  	(pc) =	sbr.rel $0x88, $3  }
0x1: {  	(tag) =	ssettag $0x0;
	lr =	simm.s32 $0x1  }
0x2: {  	[smem:$0x3F9F] =	sst lr;
	_ =	strace $0xD0000000  }
0x3: {  	_ = 	snop  }
0x4: {  	_ = 	snop  }
0x5: {  	_ = 	snop  }
0x6: {  	_ = 	snop  }
0x7: {  	_ = 	snop  }
__scs_overlays_trampoline_lowered:
0x8: {  	[smem:$0x3FAE] =	sst s0  }
0x9: {  	[smem:$0x3FAF] =	sst s1  }
0xa: {  	[smem:$0x3FB0] =	sst s2  }
0xb: {  	[smem:$0x3FB1] =	sst s3  }
0xc: {  	[smem:$0x3FB2] =	sst s4  }
0xd: {  	[smem:$0x3FB3] =	sst s5  }
0xe: {  	[smem:$0x3FB4] =	sst s6  }
0xf: {  	[smem:$0x3FB5] =	sst s7  }
0x10: {  	[smem:$0x3FB6] =	sst s8  }
0x11: {  	[smem:$0x3FB7] =	sst s9;
	s0 =	simm.s32 @!p0 $0x0  }
0x12: {  	s1 =	sld [smem:$0x3F9D];
	s0 =	simm.s32 @p0 $0x1  }
0x13: {  	[smem:$0x3FB8] =	sst s0;
	s0 =	simm.s32 @!p1 $0x0  }
0x14: {  	s2 =	sld [smem:$0x3F9C];
	s0 =	simm.s32 @p1 $0x1  }
0x15: {  	[smem:$0x3FB9] =	sst s0;
	s0 =	simm.s32 @!p2 $0x0  }
0x16: {  	s3 =	sld [smem:$0x3FDB];
	s0 =	simm.s32 @p2 $0x1  }
0x17: {  	s4 =	simm.s32 $0x1BF5;
	[smem:$0x3FBB] =	sst s0  }
0x18: {  	s0 =	sld [smem:$0x3F9E];
	_ =	swait.ge [sflag:s4], $0x0  }
0x19: {  	s7 =	sld [smem:$0x3F9F]  }
0x1a: {  	s8 =	sadd.s32 $0xFFFFE003, lr  }
0x1b: {  	s9 =	sadd.s32 $0xFFFFFEF7, lr;
	s5 =	simm.s32 $0xFFFFFFFF;
	p2 =	slt.u32 s8, $0xFFFFF086  }
0x1c: {  	p1 =	slt.u32 s9, $0xF7A;
	s5 =	simm.s32 @!p2 $0x0  }
0x1d: {  	s5 =	simm.s32 @p1 $0x1;
	p0 =	seq.s32 s7, s2  }
0x1e: {  	s7 =	smul.u32 @!p0 $0xF7A, s2;
	p2 =	seq.s32 @!p0 s5, $0x0  }
0x1f: {  	s9 =	smul.u32 $0xF7A, s1;
	s8 =	simm.s32 @!p0 $0x1BF5;
	p2 =	por !p2, p0  }
0x20: {  	[sflag:s8] =	ssyncset.s32 @!p0 $0xFFFFF086;
	s6 =	sadd.s32 @!p0 s3, s7;
	s7 =	simm.s32 @!p0 $0x108  }
0x21: {  	s3 =	sadd.s32 s3, s9;
	s6 =	sadd.s32 @!p0 $0x88, s6;
	s7 =	simm.s32 @p2 $0x1082  }
0x22: {  	[simem:s7], [sflag:s8] =	dma.local @!p0 [hbm:s6], $0xF7A  }
0x23: {  	s9 =	sor.u32 $0xD0000000, s2;
	s6 =	simm.s32 $0x108;
	_ =	swait.ge @!p0 [sflag:s8], $0x0  }
0x24: {  	s3 =	sadd.s32 $0x88, s3;
	s6 =	simm.s32 @!p1 $0x1082;
	[sflag:s4] =	ssyncset.s32 $0xFFFFF086  }
0x25: {  	[simem:s6], [sflag:s4] =	dma.local [hbm:s3], $0xF7A  }
0x26: {  	[smem:$0x3F9F] =	sst s1;
	(tag) =	ssettag s2;
	_ =	strace s9  }
0x27: {  	s1 =	sld [smem:$0x3FAF]  }
0x28: {  	s2 =	sld [smem:$0x3FB0]  }
0x29: {  	s4 =	sld [smem:$0x3FB2]  }
0x2a: {  	p0 =	seq.s32 s5, $0x0;
	s5 =	sld [smem:$0x3FB3]  }
0x2b: {  	s6 =	sld [smem:$0x3FB4]  }
0x2c: {  	s7 =	sld [smem:$0x3FB5]  }
0x2d: {  	s3 =	simm.s32 $0x108;
	s8 =	sld [smem:$0x3FB6]  }
0x2e: {  	s3 =	simm.s32 @!p0 $0x1082;
	s9 =	sld [smem:$0x3FB7]  }
0x2f: {  	lr =	sadd.s32 s0, s3;
	s0 =	sld [smem:$0x3FAE]  }
0x30: {  	s3 =	sld [smem:$0x3FB1]  }
0x31: {  	[smem:$0x3FBA] =	sst s10  }
0x32: {  	s10 =	sld [smem:$0x3FB8];
	_ =	sdelay $0x3  }
0x33: {  	p0 =	seq.s32 s10, $0x1;
	s10 =	sld [smem:$0x3FBA];
	_ =	sdelay $0x3  }
0x34: {  	[smem:$0x3FBA] =	sst s10  }
0x35: {  	s10 =	sld [smem:$0x3FB9];
	_ =	sdelay $0x3  }
0x36: {  	p1 =	seq.s32 s10, $0x1;
	s10 =	sld [smem:$0x3FBA];
	_ =	sdelay $0x3  }
0x37: {  	[smem:$0x3FBA] =	sst s10  }
0x38: {  	s10 =	sld [smem:$0x3FBB]  }
0x39: {  	_ = 	snop;
	(pc) =	sbr.ind lr, $3  }
0x3a: {  	_ = 	snop  }
0x3b: {  	_ = 	snop  }
0x3c: {  	p2 =	seq.s32 s10, $0x1;
	s10 =	sld [smem:$0x3FBA]  }
0x3d: {  	_ =	shalt  }
0x3e: {  	_ =	shalt  }
0x3f: {  	_ =	shalt  }
0x40: {  	_ =	shalt  }
0x41: {  	_ =	shalt  }
0x42: {  	_ =	shalt  }
0x43: {  	_ =	shalt  }
0x44: {  	_ =	shalt  }
0x45: {  	_ =	shalt  }
0x46: {  	_ =	shalt  }
0x47: {  	_ =	shalt  }
0x48: {  	_ =	shalt  }
0x49: {  	_ =	shalt  }
0x4a: {  	_ =	shalt  }
0x4b: {  	_ =	shalt  }
0x4c: {  	_ =	shalt  }
0x4d: {  	_ =	shalt  }
0x4e: {  	_ =	shalt  }
0x4f: {  	_ =	shalt  }
0x50: {  	_ =	shalt  }
0x51: {  	_ =	shalt  }
0x52: {  	_ =	shalt  }
0x53: {  	_ =	shalt  }
0x54: {  	_ =	shalt  }
0x55: {  	_ =	shalt  }
0x56: {  	_ =	shalt  }
0x57: {  	_ =	shalt  }
0x58: {  	_ =	shalt  }
0x59: {  	_ =	shalt  }
0x5a: {  	_ =	shalt  }
0x5b: {  	_ =	shalt  }
0x5c: {  	_ =	shalt  }
0x5d: {  	_ =	shalt  }
0x5e: {  	_ =	shalt  }
0x5f: {  	_ =	shalt  }
0x60: {  	_ =	shalt  }
0x61: {  	_ =	shalt  }
0x62: {  	_ =	shalt  }
0x63: {  	_ =	shalt  }
0x64: {  	_ =	shalt  }
0x65: {  	_ =	shalt  }
0x66: {  	_ =	shalt  }
0x67: {  	_ =	shalt  }
0x68: {  	_ =	shalt  }
0x69: {  	_ =	shalt  }
0x6a: {  	_ =	shalt  }
0x6b: {  	_ =	shalt  }
0x6c: {  	_ =	shalt  }
0x6d: {  	_ =	shalt  }
0x6e: {  	_ =	shalt  }
0x6f: {  	_ =	shalt  }
0x70: {  	_ =	shalt  }
0x71: {  	_ =	shalt  }
0x72: {  	_ =	shalt  }
0x73: {  	_ =	shalt  }
0x74: {  	_ =	shalt  }
0x75: {  	_ =	shalt  }
0x76: {  	_ =	shalt  }
0x77: {  	_ =	shalt  }
0x78: {  	_ =	shalt  }
0x79: {  	_ =	shalt  }
0x7a: {  	_ =	shalt  }
0x7b: {  	_ =	shalt  }
0x7c: {  	_ =	shalt  }
0x7d: {  	_ =	shalt  }
0x7e: {  	_ =	shalt  }
0x7f: {  	_ =	shalt  }
0x80: {  	_ =	shalt  }
0x81: {  	_ =	shalt  }
0x82: {  	_ =	shalt  }
0x83: {  	_ =	shalt  }
0x84: {  	_ =	shalt  }
0x85: {  	_ =	shalt  }
0x86: {  	_ =	shalt  }
0x87: {  	_ =	shalt  }
.Lfunc_end0:
.L_simem_size_0:
called_computation_lowered:
.L_overlay_start_0:
0x88: {  	s2 =	sld [smem:$0x3FD9]  }
0x89: {  	s3 =	sld [smem:$0x3FFE];
	_ =	sdelay $0x1  }
0x8a: {  	s1 =	srdreg.scid  }
0x8b: {  	s0 =	sand.u32 $0x1, s1  }
0x8c: {  	s17 =	sshll.u32 s0, $0xA;
	s2 =	sadd.s32 s3, s2  }
0x8d: {  	s2 =	sadd.s32 s2, s17  }
0x8e: {  	[smem:$0x3FC6] =	sst s2  }
0x8f: {  	_ = 	snop  }
0x90: {  	s2 =	sld [smem:$0x3FC9];
	(tm) =	ssettm $0x1  }
0x91: {  	s18 =	sld [smem:$0x3FFB];
	_ =	sdelay $0x3  }
0x92: {  	_ =	strace s18  }
0x93: {  	s3 =	sld [smem:$0x3FFC];
	_ =	sdelay $0x3  }
0x94: {  	_ =	strace s3  }
0x95: {  	s3 =	sld [smem:$0x3FFD];
	_ =	sdelay $0x3  }
0x96: {  	_ =	strace s3  }
0x97: {  	_ =	strace $0x8FFFFFFF  }
0x98: {  	s19 =	sld [smem:$0x3FDB];
	_ =	sdelay $0x1  }
0x99: {  	s4 =	simm.s32 $_scs_section_size  }
0x9a: {  	s5 =	simm.s32 $_size__tile_overlayer_lowered;
	s6 =	simm.s32 $_tile_overlayer_lowered  }
0x9b: {  	s22 =	simm.s32 $0x1BFF;
	s21 =	sshll.u32 s6, $0x1;
	s3 =	sadd.s32 s4, s19  }
0x9c: {  	s7 =	simm.s32 $0x0;
	s20 =	sshll.u32 s5, $0x1;
	s5 =	sadd.s32 s21, s3  }
0x9d: {  	[timem:s7], [sflag:s22] =	dma.local [hbm:s5], s20  }
0x9e: {  	_ =	swait.ge [sflag:s22], s20  }
0x9f: {  	s4 =	ssub.s32 $0x0, s20;
	[sflag:s22] =	ssyncset.done $0x0  }
0xa0: {  	[sflag:s22] =	ssyncadd.s32 s4;
	_ =	sdelay $0x1  }
0xa1: {  	s23 =	simm.s32 $0x1B8B  }
0xa2: {  	_ =	swait.ge [sflag:s23], $0x1  }
0xa3: {  	[sflag:s23] =	ssyncset.done $0x0  }
0xa4: {  	s25 =	simm.s32 $0x1B8E;
	s24 =	sld [smem:$0x3FFE];
	[sflag:s23] =	ssyncadd.s32 $0xFFFFFFFF  }
0xa5: {  	s26 =	simm.s32 $execute0_lowered;
	[smem:$0x3FD2] =	sst s25  }
0xa6: {  	s5 =	sshll.u32 s26, $0x1;
	_ =	strace $0x80000046;
	[dreg:$0x1] =	wrdreg $0xFFFFFFFF  }
0xa7: {  	s28 =	simm.s32 $_size_execute0_lowered;
	s3 =	sadd.s32 s3, s5;
	[dreg:$0x0] =	wrdreg $0x0  }
0xa8: {  	s5 =	sshll.u32 s28, $0x1;
	[dreg:$0x2] =	wrdreg s3  }
0xa9: {  	[dreg:$0x3] =	wrdreg s5  }
0xaa: {  	[dreg:$0x4] =	wrdreg $0xC0  }
0xab: {  	_ =	task [dreg:s7], $0x5FFFF  }
0xac: {  	[dreg:$0x1] =	wrdreg $0xFFFFFFFF  }
0xad: {  	[dreg:$0x0] =	wrdreg $0x60  }
0xae: {  	[dreg:$0x2] =	wrdreg s2  }
0xaf: {  	[dreg:$0x3] =	wrdreg s24  }
0xb0: {  	[dreg:$0x4] =	wrdreg $0xCE000  }
0xb1: {  	[dreg:$0x5] =	wrdreg $0x9  }
0xb2: {  	_ =	task.clear_ibuf [dreg:s7], $0x6FFFF;
	_ =	strace $0x90000046  }
0xb3: {  	s29 =	simm.s32 $0x9;
	_ =	strace $0x80000048  }
0xb4: {  	_ =	swait.ge [sflag:s29], $0x1  }
0xb5: {  	[sflag:s29] =	ssyncadd.s32 $0xFFFFFFFF  }
0xb6: {  	_ =	strace $0x90000048  }
0xb7: {  	_ =	sfence  }
0xb8: {  	s30 =	sld [smem:$0x0];
	_ =	sdelay $0x2  }
0xb9: {  	s31 =	sshll.u32 s1, $0xD;
	s1 =	sshrl.u32 s1, $0x2  }
0xba: {  	s3 =	sand.u32 $0x4000, s31;
	s1 =	sadd.s32 s1, s30  }
0xbb: {  	s0 =	sor.u32 s3, s0;
	s1 =	sshll.u32 s1, $0x11  }
0xbc: {  	s0 =	sor.u32 s1, s0  }
0xbd: {  	s0 =	sadd.s32 $0x8F2B, s0  }
0xbe: {  	[sflag:s0] =	ssyncadd.remote.s32 $0x1  }
0xbf: {  	_ =	sfence.sel $0xFFFF  }
0xc0: {  	[dreg:$0x0] =	wrdreg $0xFFFFFFFF;
	(pc) =	sbr.abs _section_cstart, $3  }
0xc1: {  	[dreg:$0x1] =	wrdreg $0xFFFFFFFF  }
0xc2: {  	_ =	task.clear_ibuf [dreg:s7], $0x2FFFF;
	_ =	strace $0x9FFFFFFF  }
0xc3: {  	(tm) =	ssettm $0x7FFFFFFF  }
tec
execute0_lowered:
.L_overlay_start_1:
0x0: {  	(tag) =	ssettag $0x1  }
0x1: {  	s6 =	rddreg [dreg:$0x0]  }
0x2: {  	s1 =	srdreg.scid;
	s4 =	rddreg [dreg:$0x1]  }
0x3: {  	s0 =	stileid.u32;
	s2 =	rddreg [dreg:$0x2];
	s3 =	simm.s32 $0x0  }
0x4: {  	s15 =	simm.s32 $0xCA80;
	s16 =	simm.s32 $0x2800;
	s17 =	simm.s32 $0xCB00  }
0x5: {  	s18 =	simm.s32 $0x5000;
	s19 =	simm.s32 $0xCB80;
	s20 =	simm.s32 $0x7800  }
0x6: {  	s21 =	simm.s32 $0xCC00;
	s22 =	simm.s32 $0xA000;
	s23 =	simm.s32 $0x0  }
0x7: {  	s5 =	sand.u32 $0x1, s1;
	s7 =	smul.u32 $0x44C0, s0;
	s1 =	rddreg [dreg:$0x3]  }
0x8: {  	[smem:$0x7FF] =	sst s3;
	s29 =	sshll.u32 s0, $0xA;
	s11 =	smul.u32 $0x44C00, s0  }
0x9: {  	s30 =	sshll.u32 s0, $0xD;
	s12 =	sshll.u32 s0, $0x6;
	s8 =	smul.u32 $0x2260, s5  }
0xa: {  	_ =	strace $0x80000047;
	s28 =	ssub.s32 $0x2, s5;
	s31 =	sadd.s32 s30, s2  }
0xb: {  	s13 =	sshll.u32 s5, $0xE;
	s14 =	smul.u32 $0x22600, s5;
	s5 =	sor.u32 $0x1C01, s12  }
0xc: {  	s12 =	simm.s32 $0xC800;
	s10 =	sshrl.u32 s28, $0x1;
	s7 =	sadd.s32 s8, s7  }
0xd: {  	s11 =	sadd.s32 s11, s6;
	s8 =	ssub.s32 s28, s10;
	s7 =	sshrl.u32 s7, $0x3  }
0xe: {  	s10 =	sshrl.u32 s31, $0x3;
	s9 =	sadd.s32 s7, s4;
	s7 =	sadd.s32 s29, s4  }
0xf: {  	s4 =	sadd.s32 $0xA600, s7;
	s7 =	sadd.s32 s13, s7;
	s9 =	sadd.s32 $0x800, s9  }
0x10: {  	s13 =	simm.s32 $0x50;
	s6 =	sadd.s32 $0xE600, s7;
	s7 =	smax.u32 s8, $0x1  }
0x11: {  	s8 =	sadd.s32 s14, s11;
	s11 =	simm.s32 $0x1;
	s14 =	simm.s32 $0xCA00  }
.LBB2_1:
0x12: {  	[spmem:s10], [sflag:s5] =	dma.local [hbm:s4], $0x400  }
0x13: {  	_ =	swait.ge [sflag:s11], $0x400  }
0x14: {  	[sflag:s11] =	ssyncset.done $0x0  }
0x15: {  	[sflag:s11] =	ssyncadd.s32 $0xFFFFFC00  }
0x16: {  	[bflag:$0x0] =	sbarrier.arrive $0xFFFF  }
0x17: {  	[tilespmem:s3], [sflag:$0x1] =	stream.linear.gather [hbm4b:s8+s3], $0xC800, $0x38;
	[tilespmem:$0xEE00] =	vst v63  }
0x18: {  	_ =	swait.ge [sflag:s11], $0xC800  }
0x19: {  	[sflag:s11] =	ssyncset.done $0x0  }
0x1a: {  	s24 =	sadd.s32 $0x0, s9;
	[sflag:s11] =	ssyncadd.s32 $0xFFFF3800  }
0x1b: {  	[tilespmem:s12], [sflag:$0x1] =	stream.linear.gather [hbm4b:s24+s3], $0x190, $0x38;
	[tilespmem:$0xEE00] =	vst v63  }
0x1c: {  	_ =	swait.ge [sflag:s11], $0x190  }
0x1d: {  	[sflag:s11] =	ssyncset.done $0x0  }
0x1e: {  	[sflag:s11] =	ssyncadd.s32 $0xFFFFFE70  }
0x1f: {  	v0 =	vld [tilespmem:$0xC980]  }
0x20: {  	v1 =	vld [tilespmem:$0xC970]  }
0x21: {  	v2 =	vld [tilespmem:$0xC950]  }
0x22: {  	v3 =	vld [tilespmem:$0xC960]  }
0x23: {  	v4 =	vld [tilespmem:$0xC930]  }
0x24: {  	v5 =	vld [tilespmem:$0xC940];
	[tilespmem:$0xCC40] =	vst v0  }
0x25: {  	v6 =	vld [tilespmem:$0xC860];
	[tilespmem:$0xCC30] =	vst v1  }
0x26: {  	v7 =	vld [tilespmem:$0xC850];
	[tilespmem:$0xCC10] =	vst v2  }
0x27: {  	v0 =	vld [tilespmem:$0xC910];
	[tilespmem:$0xCC20] =	vst v3  }
0x28: {  	v1 =	vld [tilespmem:$0xC920];
	[tilespmem:$0xCBC0] =	vst v4  }
0x29: {  	v2 =	vld [tilespmem:$0xC8F0];
	[tilespmem:$0xCC00] =	vst v5  }
0x2a: {  	v3 =	vld [tilespmem:$0xC900];
	[tilespmem:$0xCA90] =	vst v6  }
0x2b: {  	v4 =	vld [tilespmem:$0xC8D0];
	[tilespmem:$0xCA80] =	vst v7  }
0x2c: {  	v5 =	vld [tilespmem:$0xC8E0];
	[tilespmem:$0xCBA0] =	vst v0  }
0x2d: {  	v0 =	vld [tilespmem:$0xC8B0];
	[tilespmem:$0xCBB0] =	vst v1  }
0x2e: {  	v1 =	vld [tilespmem:$0xC8C0];
	[tilespmem:$0xCB80] =	vst v2  }
0x2f: {  	v2 =	vld [tilespmem:$0xC8A0];
	[tilespmem:$0xCB90] =	vst v3  }
0x30: {  	v3 =	vld [tilespmem:$0xC890];
	[tilespmem:$0xCB30] =	vst v4  }
0x31: {  	v4 =	vld [tilespmem:$0xC880];
	[tilespmem:$0xCB40] =	vst v5  }
0x32: {  	v5 =	vld [tilespmem:$0xC870];
	[tilespmem:$0xCB10] =	vst v0  }
0x33: {  	[tilespmem:$0xCB20] =	vst v1;
	v1 =	vld [tilespmem:$0xC830]  }
0x34: {  	[tilespmem:$0xCB00] =	vst v2;
	v0 =	vld [tilespmem:$0xC840]  }
0x35: {  	[tilespmem:$0xCAC0] =	vst v3;
	v2 =	vld [tilespmem:$0xC800]  }
0x36: {  	[tilespmem:$0xCAB0] =	vst v4;
	v3 =	vld [tilespmem:$0xC820]  }
0x37: {  	s25 =	smov.u32 s8;
	s24 =	simm.s32 $0x32;
	[tilespmem:$0xCAA0] =	vst v5;
	v4 =	vld [tilespmem:$0xC810]  }
.LBB2_2:
0x38: {  	p0 =	sne.s32 s24, $0x41A  }
0x39: {  	[tilespmem:$0xCA30] =	vst v1;
	s25 =	sadd.s32 $0x1900, s25;
	s26 =	smov.u32 s24;
	s24 =	sadd.s32 $0x32, s24  }
0x3a: {  	[tilespmem:$0xCA40] =	vst v0  }
0x3b: {  	[tilespmem:$0xCA00] =	vst v2  }
0x3c: {  	[tilespmem:$0xCA20] =	vst v3  }
0x3d: {  	[tilespmem:$0xCA10] =	vst v4  }
0x3e: {  	[spmem:s2] =	stream.indirect.scatter.add.f32 [tilespmem:s3], [sflag:$0x1], $0x80, s14, s13, $0xb8;
	[tilespmem:$0xEE00] =	vst v63  }
0x3f: {  	_ =	swait.ge [sflag:s11], $0x2800  }
0x40: {  	[sflag:s11] =	ssyncset.done $0x0  }
0x41: {  	[sflag:s11] =	ssyncadd.s32 $0xFFFFD800  }
0x42: {  	[spmem:s2] =	stream.indirect.scatter.add.f32 [tilespmem:s16], [sflag:$0x1], $0x80, s15, s13, $0xb8;
	[tilespmem:$0xEE00] =	vst v63  }
0x43: {  	_ =	swait.ge [sflag:s11], $0x2800  }
0x44: {  	[sflag:s11] =	ssyncset.done $0x0  }
0x45: {  	[sflag:s11] =	ssyncadd.s32 $0xFFFFD800  }
0x46: {  	[spmem:s2] =	stream.indirect.scatter.add.f32 [tilespmem:s18], [sflag:$0x1], $0x80, s17, s13, $0xb8;
	[tilespmem:$0xEE00] =	vst v63  }
0x47: {  	_ =	swait.ge [sflag:s11], $0x2800  }
0x48: {  	[sflag:s11] =	ssyncset.done $0x0  }
0x49: {  	[sflag:s11] =	ssyncadd.s32 $0xFFFFD800  }
0x4a: {  	[spmem:s2] =	stream.indirect.scatter.add.f32 [tilespmem:s20], [sflag:$0x1], $0x80, s19, s13, $0xb8;
	[tilespmem:$0xEE00] =	vst v63  }
0x4b: {  	_ =	swait.ge [sflag:s11], $0x2800  }
0x4c: {  	[sflag:s11] =	ssyncset.done $0x0  }
0x4d: {  	[sflag:s11] =	ssyncadd.s32 $0xFFFFD800  }
0x4e: {  	[spmem:s2] =	stream.indirect.scatter.add.f32 [tilespmem:s22], [sflag:$0x1], $0x80, s21, s13, $0xb8;
	[tilespmem:$0xEE00] =	vst v63  }
0x4f: {  	_ =	swait.ge [sflag:s11], $0x2800  }
0x50: {  	[sflag:s11] =	ssyncset.done $0x0  }
0x51: {  	[sflag:s11] =	ssyncadd.s32 $0xFFFFD800  }
0x52: {  	[tilespmem:s3], [sflag:$0x1] =	stream.linear.gather [hbm4b:s25+s3], $0xC800, $0x38;
	[tilespmem:$0xEE00] =	vst v63  }
0x53: {  	_ =	swait.ge [sflag:s11], $0xC800  }
0x54: {  	[sflag:s11] =	ssyncset.done $0x0  }
0x55: {  	s26 =	sadd.s32 s26, s9;
	[sflag:s11] =	ssyncadd.s32 $0xFFFF3800  }
0x56: {  	[tilespmem:s12], [sflag:$0x1] =	stream.linear.gather [hbm4b:s26+s3], $0x190, $0x38;
	[tilespmem:$0xEE00] =	vst v63  }
0x57: {  	_ =	swait.ge [sflag:s11], $0x190  }
0x58: {  	[sflag:s11] =	ssyncset.done $0x0  }
0x59: {  	[sflag:s11] =	ssyncadd.s32 $0xFFFFFE70  }
0x5a: {  	v0 =	vld [tilespmem:$0xC980]  }
0x5b: {  	v1 =	vld [tilespmem:$0xC970]  }
0x5c: {  	v2 =	vld [tilespmem:$0xC950]  }
0x5d: {  	v3 =	vld [tilespmem:$0xC960]  }
0x5e: {  	v4 =	vld [tilespmem:$0xC930]  }
0x5f: {  	v5 =	vld [tilespmem:$0xC940];
	[tilespmem:$0xCC40] =	vst v0  }
0x60: {  	v0 =	vld [tilespmem:$0xC910];
	[tilespmem:$0xCC30] =	vst v1  }
0x61: {  	v1 =	vld [tilespmem:$0xC920];
	[tilespmem:$0xCC10] =	vst v2  }
0x62: {  	v2 =	vld [tilespmem:$0xC8F0];
	[tilespmem:$0xCC20] =	vst v3  }
0x63: {  	v3 =	vld [tilespmem:$0xC900];
	[tilespmem:$0xCBC0] =	vst v4  }
0x64: {  	v4 =	vld [tilespmem:$0xC8D0];
	[tilespmem:$0xCC00] =	vst v5  }
0x65: {  	v5 =	vld [tilespmem:$0xC8E0];
	[tilespmem:$0xCBA0] =	vst v0  }
0x66: {  	v0 =	vld [tilespmem:$0xC8B0];
	[tilespmem:$0xCBB0] =	vst v1  }
0x67: {  	v1 =	vld [tilespmem:$0xC8C0];
	[tilespmem:$0xCB80] =	vst v2  }
0x68: {  	v2 =	vld [tilespmem:$0xC8A0];
	[tilespmem:$0xCB90] =	vst v3  }
0x69: {  	v3 =	vld [tilespmem:$0xC890];
	[tilespmem:$0xCB30] =	vst v4  }
0x6a: {  	v4 =	vld [tilespmem:$0xC880];
	[tilespmem:$0xCB40] =	vst v5  }
0x6b: {  	v5 =	vld [tilespmem:$0xC870];
	[tilespmem:$0xCB10] =	vst v0  }
0x6c: {  	v6 =	vld [tilespmem:$0xC860];
	[tilespmem:$0xCB20] =	vst v1  }
0x6d: {  	v7 =	vld [tilespmem:$0xC850];
	[tilespmem:$0xCB00] =	vst v2  }
.Ltmp0:
0x6e: {  	v1 =	vld [tilespmem:$0xC830];
	[tilespmem:$0xCAC0] =	vst v3;
	(pc) =	sbr.rel @p0 .LBB2_2-.Ltmp0, $4  }
0x6f: {  	v0 =	vld [tilespmem:$0xC840];
	[tilespmem:$0xCAB0] =	vst v4  }
0x70: {  	v2 =	vld [tilespmem:$0xC800];
	[tilespmem:$0xCAA0] =	vst v5  }
0x71: {  	v3 =	vld [tilespmem:$0xC820];
	[tilespmem:$0xCA90] =	vst v6  }
0x72: {  	v4 =	vld [tilespmem:$0xC810];
	[tilespmem:$0xCA80] =	vst v7  }
0x73: {  	[tilespmem:$0xCA30] =	vst v1  }
0x74: {  	[tilespmem:$0xCA40] =	vst v0  }
0x75: {  	[tilespmem:$0xCA00] =	vst v2  }
0x76: {  	[tilespmem:$0xCA20] =	vst v3  }
0x77: {  	[tilespmem:$0xCA10] =	vst v4  }
0x78: {  	[spmem:s2] =	stream.indirect.scatter.add.f32 [tilespmem:s3], [sflag:$0x1], $0x80, s14, s13, $0xb8;
	[tilespmem:$0xEE00] =	vst v63  }
0x79: {  	_ =	swait.ge [sflag:s11], $0x2800  }
0x7a: {  	[sflag:s11] =	ssyncset.done $0x0  }
0x7b: {  	[sflag:s11] =	ssyncadd.s32 $0xFFFFD800  }
0x7c: {  	[spmem:s2] =	stream.indirect.scatter.add.f32 [tilespmem:s16], [sflag:$0x1], $0x80, s15, s13, $0xb8;
	[tilespmem:$0xEE00] =	vst v63  }
0x7d: {  	_ =	swait.ge [sflag:s11], $0x2800  }
0x7e: {  	[sflag:s11] =	ssyncset.done $0x0  }
0x7f: {  	[sflag:s11] =	ssyncadd.s32 $0xFFFFD800  }
0x80: {  	[spmem:s2] =	stream.indirect.scatter.add.f32 [tilespmem:s18], [sflag:$0x1], $0x80, s17, s13, $0xb8;
	[tilespmem:$0xEE00] =	vst v63  }
0x81: {  	_ =	swait.ge [sflag:s11], $0x2800  }
0x82: {  	[sflag:s11] =	ssyncset.done $0x0  }
0x83: {  	[sflag:s11] =	ssyncadd.s32 $0xFFFFD800  }
0x84: {  	[spmem:s2] =	stream.indirect.scatter.add.f32 [tilespmem:s20], [sflag:$0x1], $0x80, s19, s13, $0xb8;
	[tilespmem:$0xEE00] =	vst v63  }
0x85: {  	_ =	swait.ge [sflag:s11], $0x2800  }
0x86: {  	[sflag:s11] =	ssyncset.done $0x0  }
0x87: {  	[sflag:s11] =	ssyncadd.s32 $0xFFFFD800  }
0x88: {  	[spmem:s2] =	stream.indirect.scatter.add.f32 [tilespmem:s22], [sflag:$0x1], $0x80, s21, s13, $0xb8;
	[tilespmem:$0xEE00] =	vst v63  }
0x89: {  	_ =	swait.ge [sflag:s11], $0x2800  }
0x8a: {  	s23 =	sadd.s32 $0x1, s23;
	[sflag:s11] =	ssyncset.done $0x0  }
0x8b: {  	p0 =	sne.s32 s23, s7;
	[sflag:s11] =	ssyncadd.s32 $0xFFFFD800  }
.Ltmp1:
0x8c: {  	[bflag:$0x0] =	sbarrier.arrive $0xFFFF;
	(pc) =	sbr.rel @p0 .LBB2_1-.Ltmp1, $4  }
0x8d: {  	[hbm:s6], [sflag:s5] =	dma.local [spmem:s10], $0x400  }
0x8e: {  	_ =	swait.ge [sflag:s11], $0x400  }
0x8f: {  	[sflag:s11] =	ssyncset.done $0x0  }
0x90: {  	[sflag:s11] =	ssyncadd.s32 $0xFFFFFC00  }
0x91: {  	_ =	sfence.sel $0x180000  }
0x92: {  	[bflag:$0x0] =	sbarrier.arrive $0xFFFF  }
0x93: {  	p0 =	sne.s32 s0, $0x0;
	_ =	strace $0x90000047  }
0x94: {  	s0 =	sadd.s32 @!p0 $0x100000, s1;
	[bflag:$0x2] =	sbarrier.arrive $0xFFFF  }
0x95: {  	[sflag:s0] =	ssyncadd.tile.s32 @!p0 $0x1;
	_ =	shalt  }
.Lfunc_end2:
_tile_overlayer_lowered:
.L_overlay_start_2:
0x96: {  	(tag) =	ssettag $0x2  }
0x97: {  	s0 =	rddreg [dreg:$0x0];
	s2 =	stileid.u32  }
0x98: {  	s1 =	rddreg [dreg:$0x1];
	p0 =	sne.s32 s2, $0x0  }
0x99: {  	s3 =	rddreg [dreg:$0x2];
	[bflag:$0x3] =	sbarrier.arrive $0xFFFF;
	s2 =	simm.s32 @!p0 $0x1C01  }
0x9a: {  	[timem:s3], [sflag:s2] =	dma.local @!p0 [hbm:s0], s1  }
0x9b: {  	s0 =	simm.s32 @!p0 $0x1  }
0x9c: {  	_ =	swait.ge @!p0 [sflag:s0], s1  }
0x9d: {  	s1 =	ssub.s32 @!p0 $0x0, s1;
	[sflag:s0] =	ssyncset.done @!p0 $0x0  }
0x9e: {  	[sflag:s0] =	ssyncadd.s32 @!p0 s1  }
0x9f: {  	[bflag:$0x3] =	sbarrier.arrive $0xFFFF  }
0xa0: {  	_ =	shalt  }

</sc_bundles>
